<compile_context>
chip_gen: v7x
topology: tpu7x:2x2x1
jax: 0.10.2.dev20260603
libtpu: 0.0.44.dev20260713+nightly
codegen_flags: <defaults>
</compile_context>

<pallas_src>
import functools

import jax
import jax.numpy as jnp
from jax import lax
from jax.experimental import pallas as pl
from jax.experimental.pallas import tpu as pltpu
from jax.experimental.pallas import tpu_sc as plsc

BATCH = 4
SEQ = 4096
D_MODEL = 1024
B_TOTAL = BATCH * SEQ

_NC, _NS = 2, 16
_NW = _NC * _NS
B_PER_W = B_TOTAL // _NW
W_PER_ROW = SEQ // B_PER_W
CHUNK = 16
NCHUNK = B_PER_W // CHUNK
NBUF = 6
_LOOP_CHUNKS = ((NCHUNK - NBUF) // NBUF) * NBUF


_mesh = plsc.VectorSubcoreMesh(core_axis_name="c", subcore_axis_name="s")


@functools.partial(
    pl.kernel,
    out_type=jax.ShapeDtypeStruct((B_TOTAL, D_MODEL), jnp.float32),
    mesh=_mesh,
    scratch_types=[
        pltpu.VMEM((B_PER_W,), jnp.int32),
        pltpu.VMEM((NBUF, CHUNK, D_MODEL), jnp.float32),
        [pltpu.SemaphoreType.DMA] * NBUF,
        [pltpu.SemaphoreType.DMA] * NBUF,
    ],
)
def _embed_sc(table_hbm, tok_hbm, out_hbm, idx_v, ring, sems_in, sems_out):
    wid = lax.axis_index("s") * _NC + lax.axis_index("c")
    base = wid * B_PER_W
    row = wid // W_PER_ROW
    col = (wid % W_PER_ROW) * B_PER_W
    pltpu.sync_copy(tok_hbm.at[row, pl.ds(col, B_PER_W)], idx_v)

    def gather(off, b):
        return pltpu.async_copy(
            table_hbm.at[idx_v.at[pl.ds(off, CHUNK)]],
            ring.at[b],
            sems_in[b],
        )

    def writeback(off, b):
        return pltpu.async_copy(
            ring.at[b], out_hbm.at[pl.ds(base + off, CHUNK)], sems_out[b]
        )

    def wait_gather(b):
        pltpu.make_async_copy(
            table_hbm.at[pl.ds(0, CHUNK)], ring.at[b], sems_in[b]
        ).wait()

    def wait_writeback(b):
        pltpu.make_async_copy(
            ring.at[b], out_hbm.at[pl.ds(base, CHUNK)], sems_out[b]
        ).wait()

    for b in range(NBUF):
        gather(b * CHUNK, b)

    @pl.loop(0, _LOOP_CHUNKS, step=NBUF)
    def _steady(g):
        goff = g * CHUNK
        for b in range(NBUF):
            off = goff + b * CHUNK
            wait_gather(b)
            writeback(off, b)
            wait_writeback(b)
            gather(off + NBUF * CHUNK, b)

    for c in range(_LOOP_CHUNKS, NCHUNK):
        b = c % NBUF
        off = c * CHUNK
        wait_gather(b)
        writeback(off, b)
        nxt = c + NBUF
        if nxt < NCHUNK:
            wait_writeback(b)
            gather(nxt * CHUNK, b)
    for c in range(NCHUNK - NBUF, NCHUNK):
        wait_writeback(c % NBUF)


def kernel(tokens, W_E):
    out = _embed_sc(W_E, tokens.astype(jnp.int32))
    return out.reshape(tokens.shape + (W_E.shape[1],))

# --- scband reference (transcript-rebuilt; emitter-appended) ---
"""Pipeline reference for scband-embed-62113817035320 (READ-ONLY COPY).

The authoritative reference and input builder live on the scoring server;
editing this copy changes nothing except your own understanding.
"""

import jax, jax.numpy as jnp
import numpy as np

D_VOCAB = 100000
D_MODEL = 1024
BATCH = 4
SEQ = 4096

def setup_inputs(seed: int = 0) -> dict:
    key = jax.random.key(seed)
    k_tok, k_w = jax.random.split(key)
    tokens = jax.random.randint(k_tok, (BATCH, SEQ), 0, D_VOCAB, dtype=jnp.int64) if jax.config.jax_enable_x64 else jax.random.randint(k_tok, (BATCH, SEQ), 0, D_VOCAB, dtype=jnp.int32)
    W_E = jax.random.normal(k_w, (D_VOCAB, D_MODEL), dtype=jnp.float32) * 0.02
    return {"tokens": tokens, "W_E": W_E}

def reference(tokens, W_E):
    # embed = self.W_E[tokens, :]
    embed = jnp.take(W_E, tokens, axis=0)
    return embed

if __name__ == "__main__":
    import jax
    _d = setup_inputs()
    print(jax.jit(kernel)(*tuple(_d.values())))

</pallas_src>

<mosaic_0001>
#map = affine_map<(d0, d1) -> (0, 0)>
module attributes {stable_mosaic.version = 14 : i64} {
  func.func @_embed_sc(%arg0: i32, %arg1: i32, %arg2: memref<100000x1024xf32, #tpu.memory_space<hbm>>, %arg3: memref<4x4096xi32, #tpu.memory_space<hbm>>, %arg4: memref<16384x1024xf32, #tpu.memory_space<hbm>>, %arg5: memref<512xi32, #tpu.memory_space<vmem>>, %arg6: memref<6x16x1024xf32, #tpu.memory_space<vmem>>, %arg7: memref<!tpu.dma_semaphore, #tpu.memory_space<semaphore_mem>>, %arg8: memref<!tpu.dma_semaphore, #tpu.memory_space<semaphore_mem>>, %arg9: memref<!tpu.dma_semaphore, #tpu.memory_space<semaphore_mem>>, %arg10: memref<!tpu.dma_semaphore, #tpu.memory_space<semaphore_mem>>, %arg11: memref<!tpu.dma_semaphore, #tpu.memory_space<semaphore_mem>>, %arg12: memref<!tpu.dma_semaphore, #tpu.memory_space<semaphore_mem>>, %arg13: memref<!tpu.dma_semaphore, #tpu.memory_space<semaphore_mem>>, %arg14: memref<!tpu.dma_semaphore, #tpu.memory_space<semaphore_mem>>, %arg15: memref<!tpu.dma_semaphore, #tpu.memory_space<semaphore_mem>>, %arg16: memref<!tpu.dma_semaphore, #tpu.memory_space<semaphore_mem>>, %arg17: memref<!tpu.dma_semaphore, #tpu.memory_space<semaphore_mem>>, %arg18: memref<!tpu.dma_semaphore, #tpu.memory_space<semaphore_mem>>) attributes {dimension_semantics = [#tpu.dimension_semantics<core_parallel>, #tpu.dimension_semantics<subcore_parallel>], iteration_bounds = array<i64: 2, 16>, scalar_prefetch = 0 : i64, scratch_operands = 14 : i64, tpu.core_type = #tpu.core_type<sc_vector_subcore>, window_params = [{transform_indices = #map}, {transform_indices = #map}, {transform_indices = #map}]} {
    %mul3A = arith.constant 2 : i32
    %mul3A_0 = arith.muli %arg1, %mul3A : i32
    %add3A = arith.addi %mul3A_0, %arg0 : i32
    %mul3A_1 = arith.constant 512 : i32
    %mul3A_2 = arith.muli %add3A, %mul3A_1 : i32
    %jit3A = arith.constant 8 : i32
    %div3A = arith.divsi %add3A, %jit3A : i32
    %sign3A = arith.constant 0 : i32
    %sign3A_3 = arith.cmpi sgt, %add3A, %sign3A : i32
    %sign3A_4 = arith.extui %sign3A_3 : i1 to i32
    %sign3A_5 = arith.constant 0 : i32
    %sign3A_6 = arith.cmpi slt, %add3A, %sign3A_5 : i32
    %sign3A_7 = arith.extui %sign3A_6 : i1 to i32
    %sign3A_8 = arith.subi %sign3A_4, %sign3A_7 : i32
    %sign3A_9 = arith.constant 0 : i32
    %sign3A_10 = arith.cmpi sgt, %jit3A, %sign3A_9 : i32
    %sign3A_11 = arith.extui %sign3A_10 : i1 to i32
    %sign3A_12 = arith.constant 0 : i32
    %sign3A_13 = arith.cmpi slt, %jit3A, %sign3A_12 : i32
    %sign3A_14 = arith.extui %sign3A_13 : i1 to i32
    %sign3A_15 = arith.subi %sign3A_11, %sign3A_14 : i32
    %ne3A = arith.cmpi ne, %sign3A_8, %sign3A_15 : i32
    %rem3A = arith.remsi %add3A, %jit3A : i32
    %ne3A_16 = arith.constant 0 : i32
    %ne3A_17 = arith.cmpi ne, %rem3A, %ne3A_16 : i32
    %and3A = arith.andi %ne3A, %ne3A_17 : i1
    %sub3A = arith.constant 1 : i32
    %sub3A_18 = arith.subi %div3A, %sub3A : i32
    %select_n3A = arith.select %and3A, %sub3A_18, %div3A : i32
    %jit3A_19 = arith.constant 8 : i32
    %eq3A = arith.constant 0 : i32
    %eq3A_20 = arith.cmpi eq, %jit3A_19, %eq3A : i32
    %jit3A_21 = arith.constant 1 : i32
    %select_n3A_22 = arith.select %eq3A_20, %jit3A_21, %jit3A_19 : i32
    %rem3A_23 = arith.remsi %add3A, %select_n3A_22 : i32
    %ne3A_24 = arith.constant 0 : i32
    %ne3A_25 = arith.cmpi ne, %rem3A_23, %ne3A_24 : i32
    %lt3A = arith.constant 0 : i32
    %lt3A_26 = arith.cmpi slt, %rem3A_23, %lt3A : i32
    %lt3A_27 = arith.constant 0 : i32
    %lt3A_28 = arith.cmpi slt, %select_n3A_22, %lt3A_27 : i32
    %ne3A_29 = arith.xori %lt3A_26, %lt3A_28 : i1
    %and3A_30 = arith.andi %ne3A_29, %ne3A_25 : i1
    %add3A_31 = arith.addi %rem3A_23, %select_n3A_22 : i32
    %select_n3A_32 = arith.select %and3A_30, %add3A_31, %rem3A_23 : i32
    %mul3A_33 = arith.constant 512 : i32
    %mul3A_34 = arith.muli %select_n3A_32, %mul3A_33 : i32
    "tpu.region"() ({
      %run_scoped3A = tpu.sem_alloc : memref<!tpu.dma_semaphore, #tpu.memory_space<semaphore_mem>>
      %dma_start3A_461 = tpu.memref_slice %arg3[%select_n3A, %mul3A_34] : memref<4x4096xi32, #tpu.memory_space<hbm>> -> memref<1x512xi32, #tpu.memory_space<hbm>>
      %dma_start3A_462 = tpu.memref_squeeze %dma_start3A_461 : memref<1x512xi32, #tpu.memory_space<hbm>> -> memref<512xi32, #tpu.memory_space<hbm>>
      %dma_start3A_463 = tpu.memref_slice %arg3[%select_n3A, %mul3A_34] : memref<4x4096xi32, #tpu.memory_space<hbm>> -> memref<1x512xi32, #tpu.memory_space<hbm>>
      %dma_start3A_464 = tpu.memref_squeeze %dma_start3A_463 : memref<1x512xi32, #tpu.memory_space<hbm>> -> memref<512xi32, #tpu.memory_space<hbm>>
      tpu.enqueue_dma source(%dma_start3A_464 : memref<512xi32, #tpu.memory_space<hbm>>) target(%arg5 : memref<512xi32, #tpu.memory_space<vmem>>) target_semaphore(%run_scoped3A : memref<!tpu.dma_semaphore, #tpu.memory_space<semaphore_mem>>)
      %dma_wait3A_465 = tpu.memref_slice %arg3[%select_n3A, %mul3A_34] : memref<4x4096xi32, #tpu.memory_space<hbm>> -> memref<1x512xi32, #tpu.memory_space<hbm>>
      %dma_wait3A_466 = tpu.memref_squeeze %dma_wait3A_465 : memref<1x512xi32, #tpu.memory_space<hbm>> -> memref<512xi32, #tpu.memory_space<hbm>>
      %dma_wait3A_467 = tpu.memref_slice %arg3[%select_n3A, %mul3A_34] : memref<4x4096xi32, #tpu.memory_space<hbm>> -> memref<1x512xi32, #tpu.memory_space<hbm>>
      %dma_wait3A_468 = tpu.memref_squeeze %dma_wait3A_467 : memref<1x512xi32, #tpu.memory_space<hbm>> -> memref<512xi32, #tpu.memory_space<hbm>>
      tpu.wait_dma2 semaphore(%run_scoped3A : memref<!tpu.dma_semaphore, #tpu.memory_space<semaphore_mem>>) src(%dma_wait3A_468 : memref<512xi32, #tpu.memory_space<hbm>>) dst(%arg5 : memref<512xi32, #tpu.memory_space<vmem>>)
      tpu.yield
    }) : () -> ()
    %dma_start3A = arith.constant 0 : i32
    %dma_start3A_35 = arith.constant 0 : i32
    %dma_start3A_36 = arith.constant 0 : i32
    %dma_start3A_37 = tpu.memref_slice %arg6[%dma_start3A, %dma_start3A_35, %dma_start3A_36] : memref<6x16x1024xf32, #tpu.memory_space<vmem>> -> memref<1x16x1024xf32, #tpu.memory_space<vmem>>
    %dma_start3A_38 = tpu.memref_squeeze %dma_start3A_37 : memref<1x16x1024xf32, #tpu.memory_space<vmem>> -> memref<16x1024xf32, #tpu.memory_space<vmem>>
    %dma_start3A_39 = arith.constant 0 : i32
    %dma_start3A_40 = tpu.memref_slice %arg5[%dma_start3A_39] : memref<512xi32, #tpu.memory_space<vmem>> -> memref<16xi32, #tpu.memory_space<vmem>>
    %dma_start3A_41 = arith.constant 0 : i32
    %dma_start3A_42 = arith.constant 0 : i32
    %dma_start3A_43 = tpu.memref_slice %arg2[%dma_start3A_41, %dma_start3A_42] : memref<100000x1024xf32, #tpu.memory_space<hbm>> -> memref<100000x1024xf32, #tpu.memory_space<hbm>>
    tpu.enqueue_indirect_dma source(%dma_start3A_43 : memref<100000x1024xf32, #tpu.memory_space<hbm>>) target(%dma_start3A_38 : memref<16x1024xf32, #tpu.memory_space<vmem>>) offsets(%dma_start3A_40 : memref<16xi32, #tpu.memory_space<vmem>>) semaphore(%arg7 : memref<!tpu.dma_semaphore, #tpu.memory_space<semaphore_mem>>)
    %dma_start3A_44 = arith.constant 1 : i32
    %dma_start3A_45 = arith.constant 0 : i32
    %dma_start3A_46 = arith.constant 0 : i32
    %dma_start3A_47 = tpu.memref_slice %arg6[%dma_start3A_44, %dma_start3A_45, %dma_start3A_46] : memref<6x16x1024xf32, #tpu.memory_space<vmem>> -> memref<1x16x1024xf32, #tpu.memory_space<vmem>>
    %dma_start3A_48 = tpu.memref_squeeze %dma_start3A_47 : memref<1x16x1024xf32, #tpu.memory_space<vmem>> -> memref<16x1024xf32, #tpu.memory_space<vmem>>
    %dma_start3A_49 = arith.constant 16 : i32
    %dma_start3A_50 = tpu.memref_slice %arg5[%dma_start3A_49] : memref<512xi32, #tpu.memory_space<vmem>> -> memref<16xi32, #tpu.memory_space<vmem>>
    %dma_start3A_51 = arith.constant 0 : i32
    %dma_start3A_52 = arith.constant 0 : i32
    %dma_start3A_53 = tpu.memref_slice %arg2[%dma_start3A_51, %dma_start3A_52] : memref<100000x1024xf32, #tpu.memory_space<hbm>> -> memref<100000x1024xf32, #tpu.memory_space<hbm>>
    tpu.enqueue_indirect_dma source(%dma_start3A_53 : memref<100000x1024xf32, #tpu.memory_space<hbm>>) target(%dma_start3A_48 : memref<16x1024xf32, #tpu.memory_space<vmem>>) offsets(%dma_start3A_50 : memref<16xi32, #tpu.memory_space<vmem>>) semaphore(%arg8 : memref<!tpu.dma_semaphore, #tpu.memory_space<semaphore_mem>>)
    %dma_start3A_54 = arith.constant 2 : i32
    %dma_start3A_55 = arith.constant 0 : i32
    %dma_start3A_56 = arith.constant 0 : i32
    %dma_start3A_57 = tpu.memref_slice %arg6[%dma_start3A_54, %dma_start3A_55, %dma_start3A_56] : memref<6x16x1024xf32, #tpu.memory_space<vmem>> -> memref<1x16x1024xf32, #tpu.memory_space<vmem>>
    %dma_start3A_58 = tpu.memref_squeeze %dma_start3A_57 : memref<1x16x1024xf32, #tpu.memory_space<vmem>> -> memref<16x1024xf32, #tpu.memory_space<vmem>>
    %dma_start3A_59 = arith.constant 32 : i32
    %dma_start3A_60 = tpu.memref_slice %arg5[%dma_start3A_59] : memref<512xi32, #tpu.memory_space<vmem>> -> memref<16xi32, #tpu.memory_space<vmem>>
    %dma_start3A_61 = arith.constant 0 : i32
    %dma_start3A_62 = arith.constant 0 : i32
    %dma_start3A_63 = tpu.memref_slice %arg2[%dma_start3A_61, %dma_start3A_62] : memref<100000x1024xf32, #tpu.memory_space<hbm>> -> memref<100000x1024xf32, #tpu.memory_space<hbm>>
    tpu.enqueue_indirect_dma source(%dma_start3A_63 : memref<100000x1024xf32, #tpu.memory_space<hbm>>) target(%dma_start3A_58 : memref<16x1024xf32, #tpu.memory_space<vmem>>) offsets(%dma_start3A_60 : memref<16xi32, #tpu.memory_space<vmem>>) semaphore(%arg9 : memref<!tpu.dma_semaphore, #tpu.memory_space<semaphore_mem>>)
    %dma_start3A_64 = arith.constant 3 : i32
    %dma_start3A_65 = arith.constant 0 : i32
    %dma_start3A_66 = arith.constant 0 : i32
    %dma_start3A_67 = tpu.memref_slice %arg6[%dma_start3A_64, %dma_start3A_65, %dma_start3A_66] : memref<6x16x1024xf32, #tpu.memory_space<vmem>> -> memref<1x16x1024xf32, #tpu.memory_space<vmem>>
    %dma_start3A_68 = tpu.memref_squeeze %dma_start3A_67 : memref<1x16x1024xf32, #tpu.memory_space<vmem>> -> memref<16x1024xf32, #tpu.memory_space<vmem>>
    %dma_start3A_69 = arith.constant 48 : i32
    %dma_start3A_70 = tpu.memref_slice %arg5[%dma_start3A_69] : memref<512xi32, #tpu.memory_space<vmem>> -> memref<16xi32, #tpu.memory_space<vmem>>
    %dma_start3A_71 = arith.constant 0 : i32
    %dma_start3A_72 = arith.constant 0 : i32
    %dma_start3A_73 = tpu.memref_slice %arg2[%dma_start3A_71, %dma_start3A_72] : memref<100000x1024xf32, #tpu.memory_space<hbm>> -> memref<100000x1024xf32, #tpu.memory_space<hbm>>
    tpu.enqueue_indirect_dma source(%dma_start3A_73 : memref<100000x1024xf32, #tpu.memory_space<hbm>>) target(%dma_start3A_68 : memref<16x1024xf32, #tpu.memory_space<vmem>>) offsets(%dma_start3A_70 : memref<16xi32, #tpu.memory_space<vmem>>) semaphore(%arg10 : memref<!tpu.dma_semaphore, #tpu.memory_space<semaphore_mem>>)
    %dma_start3A_74 = arith.constant 4 : i32
    %dma_start3A_75 = arith.constant 0 : i32
    %dma_start3A_76 = arith.constant 0 : i32
    %dma_start3A_77 = tpu.memref_slice %arg6[%dma_start3A_74, %dma_start3A_75, %dma_start3A_76] : memref<6x16x1024xf32, #tpu.memory_space<vmem>> -> memref<1x16x1024xf32, #tpu.memory_space<vmem>>
    %dma_start3A_78 = tpu.memref_squeeze %dma_start3A_77 : memref<1x16x1024xf32, #tpu.memory_space<vmem>> -> memref<16x1024xf32, #tpu.memory_space<vmem>>
    %dma_start3A_79 = arith.constant 64 : i32
    %dma_start3A_80 = tpu.memref_slice %arg5[%dma_start3A_79] : memref<512xi32, #tpu.memory_space<vmem>> -> memref<16xi32, #tpu.memory_space<vmem>>
    %dma_start3A_81 = arith.constant 0 : i32
    %dma_start3A_82 = arith.constant 0 : i32
    %dma_start3A_83 = tpu.memref_slice %arg2[%dma_start3A_81, %dma_start3A_82] : memref<100000x1024xf32, #tpu.memory_space<hbm>> -> memref<100000x1024xf32, #tpu.memory_space<hbm>>
    tpu.enqueue_indirect_dma source(%dma_start3A_83 : memref<100000x1024xf32, #tpu.memory_space<hbm>>) target(%dma_start3A_78 : memref<16x1024xf32, #tpu.memory_space<vmem>>) offsets(%dma_start3A_80 : memref<16xi32, #tpu.memory_space<vmem>>) semaphore(%arg11 : memref<!tpu.dma_semaphore, #tpu.memory_space<semaphore_mem>>)
    %dma_start3A_84 = arith.constant 5 : i32
    %dma_start3A_85 = arith.constant 0 : i32
    %dma_start3A_86 = arith.constant 0 : i32
    %dma_start3A_87 = tpu.memref_slice %arg6[%dma_start3A_84, %dma_start3A_85, %dma_start3A_86] : memref<6x16x1024xf32, #tpu.memory_space<vmem>> -> memref<1x16x1024xf32, #tpu.memory_space<vmem>>
    %dma_start3A_88 = tpu.memref_squeeze %dma_start3A_87 : memref<1x16x1024xf32, #tpu.memory_space<vmem>> -> memref<16x1024xf32, #tpu.memory_space<vmem>>
    %dma_start3A_89 = arith.constant 80 : i32
    %dma_start3A_90 = tpu.memref_slice %arg5[%dma_start3A_89] : memref<512xi32, #tpu.memory_space<vmem>> -> memref<16xi32, #tpu.memory_space<vmem>>
    %dma_start3A_91 = arith.constant 0 : i32
    %dma_start3A_92 = arith.constant 0 : i32
    %dma_start3A_93 = tpu.memref_slice %arg2[%dma_start3A_91, %dma_start3A_92] : memref<100000x1024xf32, #tpu.memory_space<hbm>> -> memref<100000x1024xf32, #tpu.memory_space<hbm>>
    tpu.enqueue_indirect_dma source(%dma_start3A_93 : memref<100000x1024xf32, #tpu.memory_space<hbm>>) target(%dma_start3A_88 : memref<16x1024xf32, #tpu.memory_space<vmem>>) offsets(%dma_start3A_90 : memref<16xi32, #tpu.memory_space<vmem>>) semaphore(%arg12 : memref<!tpu.dma_semaphore, #tpu.memory_space<semaphore_mem>>)
    %scan3A = arith.constant 0 : i32
    %scan3A_94 = arith.constant 4 : i32
    %scan3A_95 = arith.addi %scan3A, %scan3A_94 : i32
    %scan3A_96 = arith.constant 1 : i32
    scf.for %scan3A_461 = %scan3A to %scan3A_95 step %scan3A_96  : i32 {
      %mul3A_462 = arith.constant 6 : i32
      %mul3A_463 = arith.muli %scan3A_461, %mul3A_462 : i32
      %add3A_464 = arith.constant 0 : i32
      %add3A_465 = arith.addi %add3A_464, %mul3A_463 : i32
      %mul3A_466 = arith.constant 16 : i32
      %mul3A_467 = arith.muli %add3A_465, %mul3A_466 : i32
      %add3A_468 = arith.constant 0 : i32
      %add3A_469 = arith.addi %mul3A_467, %add3A_468 : i32
      %dma_wait3A_470 = arith.constant 0 : i32
      %dma_wait3A_471 = arith.constant 0 : i32
      %dma_wait3A_472 = arith.constant 0 : i32
      %dma_wait3A_473 = tpu.memref_slice %arg6[%dma_wait3A_470, %dma_wait3A_471, %dma_wait3A_472] : memref<6x16x1024xf32, #tpu.memory_space<vmem>> -> memref<1x16x1024xf32, #tpu.memory_space<vmem>>
      %dma_wait3A_474 = tpu.memref_squeeze %dma_wait3A_473 : memref<1x16x1024xf32, #tpu.memory_space<vmem>> -> memref<16x1024xf32, #tpu.memory_space<vmem>>
      %dma_wait3A_475 = arith.constant 0 : i32
      %dma_wait3A_476 = arith.constant 0 : i32
      %dma_wait3A_477 = tpu.memref_slice %arg2[%dma_wait3A_475, %dma_wait3A_476] : memref<100000x1024xf32, #tpu.memory_space<hbm>> -> memref<16x1024xf32, #tpu.memory_space<hbm>>
      %dma_wait3A_478 = arith.constant 0 : i32
      %dma_wait3A_479 = arith.constant 0 : i32
      %dma_wait3A_480 = tpu.memref_slice %arg6[%dma_wait3A_470, %dma_wait3A_478, %dma_wait3A_479] : memref<6x16x1024xf32, #tpu.memory_space<vmem>> -> memref<1x16x1024xf32, #tpu.memory_space<vmem>>
      %dma_wait3A_481 = tpu.memref_squeeze %dma_wait3A_480 : memref<1x16x1024xf32, #tpu.memory_space<vmem>> -> memref<16x1024xf32, #tpu.memory_space<vmem>>
      %dma_wait3A_482 = arith.constant 0 : i32
      %dma_wait3A_483 = arith.constant 0 : i32
      %dma_wait3A_484 = tpu.memref_slice %arg2[%dma_wait3A_482, %dma_wait3A_483] : memref<100000x1024xf32, #tpu.memory_space<hbm>> -> memref<16x1024xf32, #tpu.memory_space<hbm>>
      tpu.wait_dma2 semaphore(%arg7 : memref<!tpu.dma_semaphore, #tpu.memory_space<semaphore_mem>>) src(%dma_wait3A_484 : memref<16x1024xf32, #tpu.memory_space<hbm>>) dst(%dma_wait3A_481 : memref<16x1024xf32, #tpu.memory_space<vmem>>)
      %add3A_485 = arith.addi %mul3A_2, %add3A_469 : i32
      %dma_start3A_486 = arith.constant 0 : i32
      %dma_start3A_487 = arith.constant 0 : i32
      %dma_start3A_488 = arith.constant 0 : i32
      %dma_start3A_489 = tpu.memref_slice %arg6[%dma_start3A_486, %dma_start3A_487, %dma_start3A_488] : memref<6x16x1024xf32, #tpu.memory_space<vmem>> -> memref<1x16x1024xf32, #tpu.memory_space<vmem>>
      %dma_start3A_490 = tpu.memref_squeeze %dma_start3A_489 : memref<1x16x1024xf32, #tpu.memory_space<vmem>> -> memref<16x1024xf32, #tpu.memory_space<vmem>>
      %dma_start3A_491 = arith.constant 0 : i32
      %dma_start3A_492 = tpu.memref_slice %arg4[%add3A_485, %dma_start3A_491] : memref<16384x1024xf32, #tpu.memory_space<hbm>> -> memref<16x1024xf32, #tpu.memory_space<hbm>>
      %dma_start3A_493 = arith.constant 0 : i32
      %dma_start3A_494 = tpu.memref_slice %arg4[%add3A_485, %dma_start3A_493] : memref<16384x1024xf32, #tpu.memory_space<hbm>> -> memref<16x1024xf32, #tpu.memory_space<hbm>>
      %dma_start3A_495 = arith.constant 0 : i32
      %dma_start3A_496 = arith.constant 0 : i32
      %dma_start3A_497 = tpu.memref_slice %arg6[%dma_start3A_486, %dma_start3A_495, %dma_start3A_496] : memref<6x16x1024xf32, #tpu.memory_space<vmem>> -> memref<1x16x1024xf32, #tpu.memory_space<vmem>>
      %dma_start3A_498 = tpu.memref_squeeze %dma_start3A_497 : memref<1x16x1024xf32, #tpu.memory_space<vmem>> -> memref<16x1024xf32, #tpu.memory_space<vmem>>
      tpu.enqueue_dma source(%dma_start3A_498 : memref<16x1024xf32, #tpu.memory_space<vmem>>) target(%dma_start3A_494 : memref<16x1024xf32, #tpu.memory_space<hbm>>) target_semaphore(%arg13 : memref<!tpu.dma_semaphore, #tpu.memory_space<semaphore_mem>>)
      %dma_wait3A_499 = arith.constant 0 : i32
      %dma_wait3A_500 = arith.constant 0 : i32
      %dma_wait3A_501 = arith.constant 0 : i32
      %dma_wait3A_502 = tpu.memref_slice %arg6[%dma_wait3A_499, %dma_wait3A_500, %dma_wait3A_501] : memref<6x16x1024xf32, #tpu.memory_space<vmem>> -> memref<1x16x1024xf32, #tpu.memory_space<vmem>>
      %dma_wait3A_503 = tpu.memref_squeeze %dma_wait3A_502 : memref<1x16x1024xf32, #tpu.memory_space<vmem>> -> memref<16x1024xf32, #tpu.memory_space<vmem>>
      %dma_wait3A_504 = arith.constant 0 : i32
      %dma_wait3A_505 = tpu.memref_slice %arg4[%mul3A_2, %dma_wait3A_504] : memref<16384x1024xf32, #tpu.memory_space<hbm>> -> memref<16x1024xf32, #tpu.memory_space<hbm>>
      %dma_wait3A_506 = arith.constant 0 : i32
      %dma_wait3A_507 = tpu.memref_slice %arg4[%mul3A_2, %dma_wait3A_506] : memref<16384x1024xf32, #tpu.memory_space<hbm>> -> memref<16x1024xf32, #tpu.memory_space<hbm>>
      %dma_wait3A_508 = arith.constant 0 : i32
      %dma_wait3A_509 = arith.constant 0 : i32
      %dma_wait3A_510 = tpu.memref_slice %arg6[%dma_wait3A_499, %dma_wait3A_508, %dma_wait3A_509] : memref<6x16x1024xf32, #tpu.memory_space<vmem>> -> memref<1x16x1024xf32, #tpu.memory_space<vmem>>
      %dma_wait3A_511 = tpu.memref_squeeze %dma_wait3A_510 : memref<1x16x1024xf32, #tpu.memory_space<vmem>> -> memref<16x1024xf32, #tpu.memory_space<vmem>>
      tpu.wait_dma2 semaphore(%arg13 : memref<!tpu.dma_semaphore, #tpu.memory_space<semaphore_mem>>) src(%dma_wait3A_511 : memref<16x1024xf32, #tpu.memory_space<vmem>>) dst(%dma_wait3A_507 : memref<16x1024xf32, #tpu.memory_space<hbm>>)
      %add3A_512 = arith.constant 96 : i32
      %add3A_513 = arith.addi %add3A_469, %add3A_512 : i32
      %dma_start3A_514 = arith.constant 0 : i32
      %dma_start3A_515 = arith.constant 0 : i32
      %dma_start3A_516 = arith.constant 0 : i32
      %dma_start3A_517 = tpu.memref_slice %arg6[%dma_start3A_514, %dma_start3A_515, %dma_start3A_516] : memref<6x16x1024xf32, #tpu.memory_space<vmem>> -> memref<1x16x1024xf32, #tpu.memory_space<vmem>>
      %dma_start3A_518 = tpu.memref_squeeze %dma_start3A_517 : memref<1x16x1024xf32, #tpu.memory_space<vmem>> -> memref<16x1024xf32, #tpu.memory_space<vmem>>
      %dma_start3A_519 = tpu.memref_slice %arg5[%add3A_513] : memref<512xi32, #tpu.memory_space<vmem>> -> memref<16xi32, #tpu.memory_space<vmem>>
      %dma_start3A_520 = arith.constant 0 : i32
      %dma_start3A_521 = arith.constant 0 : i32
      %dma_start3A_522 = tpu.memref_slice %arg2[%dma_start3A_520, %dma_start3A_521] : memref<100000x1024xf32, #tpu.memory_space<hbm>> -> memref<100000x1024xf32, #tpu.memory_space<hbm>>
      tpu.enqueue_indirect_dma source(%dma_start3A_522 : memref<100000x1024xf32, #tpu.memory_space<hbm>>) target(%dma_start3A_518 : memref<16x1024xf32, #tpu.memory_space<vmem>>) offsets(%dma_start3A_519 : memref<16xi32, #tpu.memory_space<vmem>>) semaphore(%arg7 : memref<!tpu.dma_semaphore, #tpu.memory_space<semaphore_mem>>)
      %add3A_523 = arith.constant 16 : i32
      %add3A_524 = arith.addi %mul3A_467, %add3A_523 : i32
      %dma_wait3A_525 = arith.constant 1 : i32
      %dma_wait3A_526 = arith.constant 0 : i32
      %dma_wait3A_527 = arith.constant 0 : i32
      %dma_wait3A_528 = tpu.memref_slice %arg6[%dma_wait3A_525, %dma_wait3A_526, %dma_wait3A_527] : memref<6x16x1024xf32, #tpu.memory_space<vmem>> -> memref<1x16x1024xf32, #tpu.memory_space<vmem>>
      %dma_wait3A_529 = tpu.memref_squeeze %dma_wait3A_528 : memref<1x16x1024xf32, #tpu.memory_space<vmem>> -> memref<16x1024xf32, #tpu.memory_space<vmem>>
      %dma_wait3A_530 = arith.constant 0 : i32
      %dma_wait3A_531 = arith.constant 0 : i32
      %dma_wait3A_532 = tpu.memref_slice %arg2[%dma_wait3A_530, %dma_wait3A_531] : memref<100000x1024xf32, #tpu.memory_space<hbm>> -> memref<16x1024xf32, #tpu.memory_space<hbm>>
      %dma_wait3A_533 = arith.constant 0 : i32
      %dma_wait3A_534 = arith.constant 0 : i32
      %dma_wait3A_535 = tpu.memref_slice %arg6[%dma_wait3A_525, %dma_wait3A_533, %dma_wait3A_534] : memref<6x16x1024xf32, #tpu.memory_space<vmem>> -> memref<1x16x1024xf32, #tpu.memory_space<vmem>>
      %dma_wait3A_536 = tpu.memref_squeeze %dma_wait3A_535 : memref<1x16x1024xf32, #tpu.memory_space<vmem>> -> memref<16x1024xf32, #tpu.memory_space<vmem>>
      %dma_wait3A_537 = arith.constant 0 : i32
      %dma_wait3A_538 = arith.constant 0 : i32
      %dma_wait3A_539 = tpu.memref_slice %arg2[%dma_wait3A_537, %dma_wait3A_538] : memref<100000x1024xf32, #tpu.memory_space<hbm>> -> memref<16x1024xf32, #tpu.memory_space<hbm>>
      tpu.wait_dma2 semaphore(%arg8 : memref<!tpu.dma_semaphore, #tpu.memory_space<semaphore_mem>>) src(%dma_wait3A_539 : memref<16x1024xf32, #tpu.memory_space<hbm>>) dst(%dma_wait3A_536 : memref<16x1024xf32, #tpu.memory_space<vmem>>)
      %add3A_540 = arith.addi %mul3A_2, %add3A_524 : i32
      %dma_start3A_541 = arith.constant 1 : i32
      %dma_start3A_542 = arith.constant 0 : i32
      %dma_start3A_543 = arith.constant 0 : i32
      %dma_start3A_544 = tpu.memref_slice %arg6[%dma_start3A_541, %dma_start3A_542, %dma_start3A_543] : memref<6x16x1024xf32, #tpu.memory_space<vmem>> -> memref<1x16x1024xf32, #tpu.memory_space<vmem>>
      %dma_start3A_545 = tpu.memref_squeeze %dma_start3A_544 : memref<1x16x1024xf32, #tpu.memory_space<vmem>> -> memref<16x1024xf32, #tpu.memory_space<vmem>>
      %dma_start3A_546 = arith.constant 0 : i32
      %dma_start3A_547 = tpu.memref_slice %arg4[%add3A_540, %dma_start3A_546] : memref<16384x1024xf32, #tpu.memory_space<hbm>> -> memref<16x1024xf32, #tpu.memory_space<hbm>>
      %dma_start3A_548 = arith.constant 0 : i32
      %dma_start3A_549 = tpu.memref_slice %arg4[%add3A_540, %dma_start3A_548] : memref<16384x1024xf32, #tpu.memory_space<hbm>> -> memref<16x1024xf32, #tpu.memory_space<hbm>>
      %dma_start3A_550 = arith.constant 0 : i32
      %dma_start3A_551 = arith.constant 0 : i32
      %dma_start3A_552 = tpu.memref_slice %arg6[%dma_start3A_541, %dma_start3A_550, %dma_start3A_551] : memref<6x16x1024xf32, #tpu.memory_space<vmem>> -> memref<1x16x1024xf32, #tpu.memory_space<vmem>>
      %dma_start3A_553 = tpu.memref_squeeze %dma_start3A_552 : memref<1x16x1024xf32, #tpu.memory_space<vmem>> -> memref<16x1024xf32, #tpu.memory_space<vmem>>
      tpu.enqueue_dma source(%dma_start3A_553 : memref<16x1024xf32, #tpu.memory_space<vmem>>) target(%dma_start3A_549 : memref<16x1024xf32, #tpu.memory_space<hbm>>) target_semaphore(%arg14 : memref<!tpu.dma_semaphore, #tpu.memory_space<semaphore_mem>>)
      %dma_wait3A_554 = arith.constant 1 : i32
      %dma_wait3A_555 = arith.constant 0 : i32
      %dma_wait3A_556 = arith.constant 0 : i32
      %dma_wait3A_557 = tpu.memref_slice %arg6[%dma_wait3A_554, %dma_wait3A_555, %dma_wait3A_556] : memref<6x16x1024xf32, #tpu.memory_space<vmem>> -> memref<1x16x1024xf32, #tpu.memory_space<vmem>>
      %dma_wait3A_558 = tpu.memref_squeeze %dma_wait3A_557 : memref<1x16x1024xf32, #tpu.memory_space<vmem>> -> memref<16x1024xf32, #tpu.memory_space<vmem>>
      %dma_wait3A_559 = arith.constant 0 : i32
      %dma_wait3A_560 = tpu.memref_slice %arg4[%mul3A_2, %dma_wait3A_559] : memref<16384x1024xf32, #tpu.memory_space<hbm>> -> memref<16x1024xf32, #tpu.memory_space<hbm>>
      %dma_wait3A_561 = arith.constant 0 : i32
      %dma_wait3A_562 = tpu.memref_slice %arg4[%mul3A_2, %dma_wait3A_561] : memref<16384x1024xf32, #tpu.memory_space<hbm>> -> memref<16x1024xf32, #tpu.memory_space<hbm>>
      %dma_wait3A_563 = arith.constant 0 : i32
      %dma_wait3A_564 = arith.constant 0 : i32
      %dma_wait3A_565 = tpu.memref_slice %arg6[%dma_wait3A_554, %dma_wait3A_563, %dma_wait3A_564] : memref<6x16x1024xf32, #tpu.memory_space<vmem>> -> memref<1x16x1024xf32, #tpu.memory_space<vmem>>
      %dma_wait3A_566 = tpu.memref_squeeze %dma_wait3A_565 : memref<1x16x1024xf32, #tpu.memory_space<vmem>> -> memref<16x1024xf32, #tpu.memory_space<vmem>>
      tpu.wait_dma2 semaphore(%arg14 : memref<!tpu.dma_semaphore, #tpu.memory_space<semaphore_mem>>) src(%dma_wait3A_566 : memref<16x1024xf32, #tpu.memory_space<vmem>>) dst(%dma_wait3A_562 : memref<16x1024xf32, #tpu.memory_space<hbm>>)
      %add3A_567 = arith.constant 96 : i32
      %add3A_568 = arith.addi %add3A_524, %add3A_567 : i32
      %dma_start3A_569 = arith.constant 1 : i32
      %dma_start3A_570 = arith.constant 0 : i32
      %dma_start3A_571 = arith.constant 0 : i32
      %dma_start3A_572 = tpu.memref_slice %arg6[%dma_start3A_569, %dma_start3A_570, %dma_start3A_571] : memref<6x16x1024xf32, #tpu.memory_space<vmem>> -> memref<1x16x1024xf32, #tpu.memory_space<vmem>>
      %dma_start3A_573 = tpu.memref_squeeze %dma_start3A_572 : memref<1x16x1024xf32, #tpu.memory_space<vmem>> -> memref<16x1024xf32, #tpu.memory_space<vmem>>
      %dma_start3A_574 = tpu.memref_slice %arg5[%add3A_568] : memref<512xi32, #tpu.memory_space<vmem>> -> memref<16xi32, #tpu.memory_space<vmem>>
      %dma_start3A_575 = arith.constant 0 : i32
      %dma_start3A_576 = arith.constant 0 : i32
      %dma_start3A_577 = tpu.memref_slice %arg2[%dma_start3A_575, %dma_start3A_576] : memref<100000x1024xf32, #tpu.memory_space<hbm>> -> memref<100000x1024xf32, #tpu.memory_space<hbm>>
      tpu.enqueue_indirect_dma source(%dma_start3A_577 : memref<100000x1024xf32, #tpu.memory_space<hbm>>) target(%dma_start3A_573 : memref<16x1024xf32, #tpu.memory_space<vmem>>) offsets(%dma_start3A_574 : memref<16xi32, #tpu.memory_space<vmem>>) semaphore(%arg8 : memref<!tpu.dma_semaphore, #tpu.memory_space<semaphore_mem>>)
      %add3A_578 = arith.constant 32 : i32
      %add3A_579 = arith.addi %mul3A_467, %add3A_578 : i32
      %dma_wait3A_580 = arith.constant 2 : i32
      %dma_wait3A_581 = arith.constant 0 : i32
      %dma_wait3A_582 = arith.constant 0 : i32
      %dma_wait3A_583 = tpu.memref_slice %arg6[%dma_wait3A_580, %dma_wait3A_581, %dma_wait3A_582] : memref<6x16x1024xf32, #tpu.memory_space<vmem>> -> memref<1x16x1024xf32, #tpu.memory_space<vmem>>
      %dma_wait3A_584 = tpu.memref_squeeze %dma_wait3A_583 : memref<1x16x1024xf32, #tpu.memory_space<vmem>> -> memref<16x1024xf32, #tpu.memory_space<vmem>>
      %dma_wait3A_585 = arith.constant 0 : i32
      %dma_wait3A_586 = arith.constant 0 : i32
      %dma_wait3A_587 = tpu.memref_slice %arg2[%dma_wait3A_585, %dma_wait3A_586] : memref<100000x1024xf32, #tpu.memory_space<hbm>> -> memref<16x1024xf32, #tpu.memory_space<hbm>>
      %dma_wait3A_588 = arith.constant 0 : i32
      %dma_wait3A_589 = arith.constant 0 : i32
      %dma_wait3A_590 = tpu.memref_slice %arg6[%dma_wait3A_580, %dma_wait3A_588, %dma_wait3A_589] : memref<6x16x1024xf32, #tpu.memory_space<vmem>> -> memref<1x16x1024xf32, #tpu.memory_space<vmem>>
      %dma_wait3A_591 = tpu.memref_squeeze %dma_wait3A_590 : memref<1x16x1024xf32, #tpu.memory_space<vmem>> -> memref<16x1024xf32, #tpu.memory_space<vmem>>
      %dma_wait3A_592 = arith.constant 0 : i32
      %dma_wait3A_593 = arith.constant 0 : i32
      %dma_wait3A_594 = tpu.memref_slice %arg2[%dma_wait3A_592, %dma_wait3A_593] : memref<100000x1024xf32, #tpu.memory_space<hbm>> -> memref<16x1024xf32, #tpu.memory_space<hbm>>
      tpu.wait_dma2 semaphore(%arg9 : memref<!tpu.dma_semaphore, #tpu.memory_space<semaphore_mem>>) src(%dma_wait3A_594 : memref<16x1024xf32, #tpu.memory_space<hbm>>) dst(%dma_wait3A_591 : memref<16x1024xf32, #tpu.memory_space<vmem>>)
      %add3A_595 = arith.addi %mul3A_2, %add3A_579 : i32
      %dma_start3A_596 = arith.constant 2 : i32
      %dma_start3A_597 = arith.constant 0 : i32
      %dma_start3A_598 = arith.constant 0 : i32
      %dma_start3A_599 = tpu.memref_slice %arg6[%dma_start3A_596, %dma_start3A_597, %dma_start3A_598] : memref<6x16x1024xf32, #tpu.memory_space<vmem>> -> memref<1x16x1024xf32, #tpu.memory_space<vmem>>
      %dma_start3A_600 = tpu.memref_squeeze %dma_start3A_599 : memref<1x16x1024xf32, #tpu.memory_space<vmem>> -> memref<16x1024xf32, #tpu.memory_space<vmem>>
      %dma_start3A_601 = arith.constant 0 : i32
      %dma_start3A_602 = tpu.memref_slice %arg4[%add3A_595, %dma_start3A_601] : memref<16384x1024xf32, #tpu.memory_space<hbm>> -> memref<16x1024xf32, #tpu.memory_space<hbm>>
      %dma_start3A_603 = arith.constant 0 : i32
      %dma_start3A_604 = tpu.memref_slice %arg4[%add3A_595, %dma_start3A_603] : memref<16384x1024xf32, #tpu.memory_space<hbm>> -> memref<16x1024xf32, #tpu.memory_space<hbm>>
      %dma_start3A_605 = arith.constant 0 : i32
      %dma_start3A_606 = arith.constant 0 : i32
      %dma_start3A_607 = tpu.memref_slice %arg6[%dma_start3A_596, %dma_start3A_605, %dma_start3A_606] : memref<6x16x1024xf32, #tpu.memory_space<vmem>> -> memref<1x16x1024xf32, #tpu.memory_space<vmem>>
      %dma_start3A_608 = tpu.memref_squeeze %dma_start3A_607 : memref<1x16x1024xf32, #tpu.memory_space<vmem>> -> memref<16x1024xf32, #tpu.memory_space<vmem>>
      tpu.enqueue_dma source(%dma_start3A_608 : memref<16x1024xf32, #tpu.memory_space<vmem>>) target(%dma_start3A_604 : memref<16x1024xf32, #tpu.memory_space<hbm>>) target_semaphore(%arg15 : memref<!tpu.dma_semaphore, #tpu.memory_space<semaphore_mem>>)
      %dma_wait3A_609 = arith.constant 2 : i32
      %dma_wait3A_610 = arith.constant 0 : i32
      %dma_wait3A_611 = arith.constant 0 : i32
      %dma_wait3A_612 = tpu.memref_slice %arg6[%dma_wait3A_609, %dma_wait3A_610, %dma_wait3A_611] : memref<6x16x1024xf32, #tpu.memory_space<vmem>> -> memref<1x16x1024xf32, #tpu.memory_space<vmem>>
      %dma_wait3A_613 = tpu.memref_squeeze %dma_wait3A_612 : memref<1x16x1024xf32, #tpu.memory_space<vmem>> -> memref<16x1024xf32, #tpu.memory_space<vmem>>
      %dma_wait3A_614 = arith.constant 0 : i32
      %dma_wait3A_615 = tpu.memref_slice %arg4[%mul3A_2, %dma_wait3A_614] : memref<16384x1024xf32, #tpu.memory_space<hbm>> -> memref<16x1024xf32, #tpu.memory_space<hbm>>
      %dma_wait3A_616 = arith.constant 0 : i32
      %dma_wait3A_617 = tpu.memref_slice %arg4[%mul3A_2, %dma_wait3A_616] : memref<16384x1024xf32, #tpu.memory_space<hbm>> -> memref<16x1024xf32, #tpu.memory_space<hbm>>
      %dma_wait3A_618 = arith.constant 0 : i32
      %dma_wait3A_619 = arith.constant 0 : i32
      %dma_wait3A_620 = tpu.memref_slice %arg6[%dma_wait3A_609, %dma_wait3A_618, %dma_wait3A_619] : memref<6x16x1024xf32, #tpu.memory_space<vmem>> -> memref<1x16x1024xf32, #tpu.memory_space<vmem>>
      %dma_wait3A_621 = tpu.memref_squeeze %dma_wait3A_620 : memref<1x16x1024xf32, #tpu.memory_space<vmem>> -> memref<16x1024xf32, #tpu.memory_space<vmem>>
      tpu.wait_dma2 semaphore(%arg15 : memref<!tpu.dma_semaphore, #tpu.memory_space<semaphore_mem>>) src(%dma_wait3A_621 : memref<16x1024xf32, #tpu.memory_space<vmem>>) dst(%dma_wait3A_617 : memref<16x1024xf32, #tpu.memory_space<hbm>>)
      %add3A_622 = arith.constant 96 : i32
      %add3A_623 = arith.addi %add3A_579, %add3A_622 : i32
      %dma_start3A_624 = arith.constant 2 : i32
      %dma_start3A_625 = arith.constant 0 : i32
      %dma_start3A_626 = arith.constant 0 : i32
      %dma_start3A_627 = tpu.memref_slice %arg6[%dma_start3A_624, %dma_start3A_625, %dma_start3A_626] : memref<6x16x1024xf32, #tpu.memory_space<vmem>> -> memref<1x16x1024xf32, #tpu.memory_space<vmem>>
      %dma_start3A_628 = tpu.memref_squeeze %dma_start3A_627 : memref<1x16x1024xf32, #tpu.memory_space<vmem>> -> memref<16x1024xf32, #tpu.memory_space<vmem>>
      %dma_start3A_629 = tpu.memref_slice %arg5[%add3A_623] : memref<512xi32, #tpu.memory_space<vmem>> -> memref<16xi32, #tpu.memory_space<vmem>>
      %dma_start3A_630 = arith.constant 0 : i32
      %dma_start3A_631 = arith.constant 0 : i32
      %dma_start3A_632 = tpu.memref_slice %arg2[%dma_start3A_630, %dma_start3A_631] : memref<100000x1024xf32, #tpu.memory_space<hbm>> -> memref<100000x1024xf32, #tpu.memory_space<hbm>>
      tpu.enqueue_indirect_dma source(%dma_start3A_632 : memref<100000x1024xf32, #tpu.memory_space<hbm>>) target(%dma_start3A_628 : memref<16x1024xf32, #tpu.memory_space<vmem>>) offsets(%dma_start3A_629 : memref<16xi32, #tpu.memory_space<vmem>>) semaphore(%arg9 : memref<!tpu.dma_semaphore, #tpu.memory_space<semaphore_mem>>)
      %add3A_633 = arith.constant 48 : i32
      %add3A_634 = arith.addi %mul3A_467, %add3A_633 : i32
      %dma_wait3A_635 = arith.constant 3 : i32
      %dma_wait3A_636 = arith.constant 0 : i32
      %dma_wait3A_637 = arith.constant 0 : i32
      %dma_wait3A_638 = tpu.memref_slice %arg6[%dma_wait3A_635, %dma_wait3A_636, %dma_wait3A_637] : memref<6x16x1024xf32, #tpu.memory_space<vmem>> -> memref<1x16x1024xf32, #tpu.memory_space<vmem>>
      %dma_wait3A_639 = tpu.memref_squeeze %dma_wait3A_638 : memref<1x16x1024xf32, #tpu.memory_space<vmem>> -> memref<16x1024xf32, #tpu.memory_space<vmem>>
      %dma_wait3A_640 = arith.constant 0 : i32
      %dma_wait3A_641 = arith.constant 0 : i32
      %dma_wait3A_642 = tpu.memref_slice %arg2[%dma_wait3A_640, %dma_wait3A_641] : memref<100000x1024xf32, #tpu.memory_space<hbm>> -> memref<16x1024xf32, #tpu.memory_space<hbm>>
      %dma_wait3A_643 = arith.constant 0 : i32
      %dma_wait3A_644 = arith.constant 0 : i32
      %dma_wait3A_645 = tpu.memref_slice %arg6[%dma_wait3A_635, %dma_wait3A_643, %dma_wait3A_644] : memref<6x16x1024xf32, #tpu.memory_space<vmem>> -> memref<1x16x1024xf32, #tpu.memory_space<vmem>>
      %dma_wait3A_646 = tpu.memref_squeeze %dma_wait3A_645 : memref<1x16x1024xf32, #tpu.memory_space<vmem>> -> memref<16x1024xf32, #tpu.memory_space<vmem>>
      %dma_wait3A_647 = arith.constant 0 : i32
      %dma_wait3A_648 = arith.constant 0 : i32
      %dma_wait3A_649 = tpu.memref_slice %arg2[%dma_wait3A_647, %dma_wait3A_648] : memref<100000x1024xf32, #tpu.memory_space<hbm>> -> memref<16x1024xf32, #tpu.memory_space<hbm>>
      tpu.wait_dma2 semaphore(%arg10 : memref<!tpu.dma_semaphore, #tpu.memory_space<semaphore_mem>>) src(%dma_wait3A_649 : memref<16x1024xf32, #tpu.memory_space<hbm>>) dst(%dma_wait3A_646 : memref<16x1024xf32, #tpu.memory_space<vmem>>)
      %add3A_650 = arith.addi %mul3A_2, %add3A_634 : i32
      %dma_start3A_651 = arith.constant 3 : i32
      %dma_start3A_652 = arith.constant 0 : i32
      %dma_start3A_653 = arith.constant 0 : i32
      %dma_start3A_654 = tpu.memref_slice %arg6[%dma_start3A_651, %dma_start3A_652, %dma_start3A_653] : memref<6x16x1024xf32, #tpu.memory_space<vmem>> -> memref<1x16x1024xf32, #tpu.memory_space<vmem>>
      %dma_start3A_655 = tpu.memref_squeeze %dma_start3A_654 : memref<1x16x1024xf32, #tpu.memory_space<vmem>> -> memref<16x1024xf32, #tpu.memory_space<vmem>>
      %dma_start3A_656 = arith.constant 0 : i32
      %dma_start3A_657 = tpu.memref_slice %arg4[%add3A_650, %dma_start3A_656] : memref<16384x1024xf32, #tpu.memory_space<hbm>> -> memref<16x1024xf32, #tpu.memory_space<hbm>>
      %dma_start3A_658 = arith.constant 0 : i32
      %dma_start3A_659 = tpu.memref_slice %arg4[%add3A_650, %dma_start3A_658] : memref<16384x1024xf32, #tpu.memory_space<hbm>> -> memref<16x1024xf32, #tpu.memory_space<hbm>>
      %dma_start3A_660 = arith.constant 0 : i32
      %dma_start3A_661 = arith.constant 0 : i32
      %dma_start3A_662 = tpu.memref_slice %arg6[%dma_start3A_651, %dma_start3A_660, %dma_start3A_661] : memref<6x16x1024xf32, #tpu.memory_space<vmem>> -> memref<1x16x1024xf32, #tpu.memory_space<vmem>>
      %dma_start3A_663 = tpu.memref_squeeze %dma_start3A_662 : memref<1x16x1024xf32, #tpu.memory_space<vmem>> -> memref<16x1024xf32, #tpu.memory_space<vmem>>
      tpu.enqueue_dma source(%dma_start3A_663 : memref<16x1024xf32, #tpu.memory_space<vmem>>) target(%dma_start3A_659 : memref<16x1024xf32, #tpu.memory_space<hbm>>) target_semaphore(%arg16 : memref<!tpu.dma_semaphore, #tpu.memory_space<semaphore_mem>>)
      %dma_wait3A_664 = arith.constant 3 : i32
      %dma_wait3A_665 = arith.constant 0 : i32
      %dma_wait3A_666 = arith.constant 0 : i32
      %dma_wait3A_667 = tpu.memref_slice %arg6[%dma_wait3A_664, %dma_wait3A_665, %dma_wait3A_666] : memref<6x16x1024xf32, #tpu.memory_space<vmem>> -> memref<1x16x1024xf32, #tpu.memory_space<vmem>>
      %dma_wait3A_668 = tpu.memref_squeeze %dma_wait3A_667 : memref<1x16x1024xf32, #tpu.memory_space<vmem>> -> memref<16x1024xf32, #tpu.memory_space<vmem>>
      %dma_wait3A_669 = arith.constant 0 : i32
      %dma_wait3A_670 = tpu.memref_slice %arg4[%mul3A_2, %dma_wait3A_669] : memref<16384x1024xf32, #tpu.memory_space<hbm>> -> memref<16x1024xf32, #tpu.memory_space<hbm>>
      %dma_wait3A_671 = arith.constant 0 : i32
      %dma_wait3A_672 = tpu.memref_slice %arg4[%mul3A_2, %dma_wait3A_671] : memref<16384x1024xf32, #tpu.memory_space<hbm>> -> memref<16x1024xf32, #tpu.memory_space<hbm>>
      %dma_wait3A_673 = arith.constant 0 : i32
      %dma_wait3A_674 = arith.constant 0 : i32
      %dma_wait3A_675 = tpu.memref_slice %arg6[%dma_wait3A_664, %dma_wait3A_673, %dma_wait3A_674] : memref<6x16x1024xf32, #tpu.memory_space<vmem>> -> memref<1x16x1024xf32, #tpu.memory_space<vmem>>
      %dma_wait3A_676 = tpu.memref_squeeze %dma_wait3A_675 : memref<1x16x1024xf32, #tpu.memory_space<vmem>> -> memref<16x1024xf32, #tpu.memory_space<vmem>>
      tpu.wait_dma2 semaphore(%arg16 : memref<!tpu.dma_semaphore, #tpu.memory_space<semaphore_mem>>) src(%dma_wait3A_676 : memref<16x1024xf32, #tpu.memory_space<vmem>>) dst(%dma_wait3A_672 : memref<16x1024xf32, #tpu.memory_space<hbm>>)
      %add3A_677 = arith.constant 96 : i32
      %add3A_678 = arith.addi %add3A_634, %add3A_677 : i32
      %dma_start3A_679 = arith.constant 3 : i32
      %dma_start3A_680 = arith.constant 0 : i32
      %dma_start3A_681 = arith.constant 0 : i32
      %dma_start3A_682 = tpu.memref_slice %arg6[%dma_start3A_679, %dma_start3A_680, %dma_start3A_681] : memref<6x16x1024xf32, #tpu.memory_space<vmem>> -> memref<1x16x1024xf32, #tpu.memory_space<vmem>>
      %dma_start3A_683 = tpu.memref_squeeze %dma_start3A_682 : memref<1x16x1024xf32, #tpu.memory_space<vmem>> -> memref<16x1024xf32, #tpu.memory_space<vmem>>
      %dma_start3A_684 = tpu.memref_slice %arg5[%add3A_678] : memref<512xi32, #tpu.memory_space<vmem>> -> memref<16xi32, #tpu.memory_space<vmem>>
      %dma_start3A_685 = arith.constant 0 : i32
      %dma_start3A_686 = arith.constant 0 : i32
      %dma_start3A_687 = tpu.memref_slice %arg2[%dma_start3A_685, %dma_start3A_686] : memref<100000x1024xf32, #tpu.memory_space<hbm>> -> memref<100000x1024xf32, #tpu.memory_space<hbm>>
      tpu.enqueue_indirect_dma source(%dma_start3A_687 : memref<100000x1024xf32, #tpu.memory_space<hbm>>) target(%dma_start3A_683 : memref<16x1024xf32, #tpu.memory_space<vmem>>) offsets(%dma_start3A_684 : memref<16xi32, #tpu.memory_space<vmem>>) semaphore(%arg10 : memref<!tpu.dma_semaphore, #tpu.memory_space<semaphore_mem>>)
      %add3A_688 = arith.constant 64 : i32
      %add3A_689 = arith.addi %mul3A_467, %add3A_688 : i32
      %dma_wait3A_690 = arith.constant 4 : i32
      %dma_wait3A_691 = arith.constant 0 : i32
      %dma_wait3A_692 = arith.constant 0 : i32
      %dma_wait3A_693 = tpu.memref_slice %arg6[%dma_wait3A_690, %dma_wait3A_691, %dma_wait3A_692] : memref<6x16x1024xf32, #tpu.memory_space<vmem>> -> memref<1x16x1024xf32, #tpu.memory_space<vmem>>
      %dma_wait3A_694 = tpu.memref_squeeze %dma_wait3A_693 : memref<1x16x1024xf32, #tpu.memory_space<vmem>> -> memref<16x1024xf32, #tpu.memory_space<vmem>>
      %dma_wait3A_695 = arith.constant 0 : i32
      %dma_wait3A_696 = arith.constant 0 : i32
      %dma_wait3A_697 = tpu.memref_slice %arg2[%dma_wait3A_695, %dma_wait3A_696] : memref<100000x1024xf32, #tpu.memory_space<hbm>> -> memref<16x1024xf32, #tpu.memory_space<hbm>>
      %dma_wait3A_698 = arith.constant 0 : i32
      %dma_wait3A_699 = arith.constant 0 : i32
      %dma_wait3A_700 = tpu.memref_slice %arg6[%dma_wait3A_690, %dma_wait3A_698, %dma_wait3A_699] : memref<6x16x1024xf32, #tpu.memory_space<vmem>> -> memref<1x16x1024xf32, #tpu.memory_space<vmem>>
      %dma_wait3A_701 = tpu.memref_squeeze %dma_wait3A_700 : memref<1x16x1024xf32, #tpu.memory_space<vmem>> -> memref<16x1024xf32, #tpu.memory_space<vmem>>
      %dma_wait3A_702 = arith.constant 0 : i32
      %dma_wait3A_703 = arith.constant 0 : i32
      %dma_wait3A_704 = tpu.memref_slice %arg2[%dma_wait3A_702, %dma_wait3A_703] : memref<100000x1024xf32, #tpu.memory_space<hbm>> -> memref<16x1024xf32, #tpu.memory_space<hbm>>
      tpu.wait_dma2 semaphore(%arg11 : memref<!tpu.dma_semaphore, #tpu.memory_space<semaphore_mem>>) src(%dma_wait3A_704 : memref<16x1024xf32, #tpu.memory_space<hbm>>) dst(%dma_wait3A_701 : memref<16x1024xf32, #tpu.memory_space<vmem>>)
      %add3A_705 = arith.addi %mul3A_2, %add3A_689 : i32
      %dma_start3A_706 = arith.constant 4 : i32
      %dma_start3A_707 = arith.constant 0 : i32
      %dma_start3A_708 = arith.constant 0 : i32
      %dma_start3A_709 = tpu.memref_slice %arg6[%dma_start3A_706, %dma_start3A_707, %dma_start3A_708] : memref<6x16x1024xf32, #tpu.memory_space<vmem>> -> memref<1x16x1024xf32, #tpu.memory_space<vmem>>
      %dma_start3A_710 = tpu.memref_squeeze %dma_start3A_709 : memref<1x16x1024xf32, #tpu.memory_space<vmem>> -> memref<16x1024xf32, #tpu.memory_space<vmem>>
      %dma_start3A_711 = arith.constant 0 : i32
      %dma_start3A_712 = tpu.memref_slice %arg4[%add3A_705, %dma_start3A_711] : memref<16384x1024xf32, #tpu.memory_space<hbm>> -> memref<16x1024xf32, #tpu.memory_space<hbm>>
      %dma_start3A_713 = arith.constant 0 : i32
      %dma_start3A_714 = tpu.memref_slice %arg4[%add3A_705, %dma_start3A_713] : memref<16384x1024xf32, #tpu.memory_space<hbm>> -> memref<16x1024xf32, #tpu.memory_space<hbm>>
      %dma_start3A_715 = arith.constant 0 : i32
      %dma_start3A_716 = arith.constant 0 : i32
      %dma_start3A_717 = tpu.memref_slice %arg6[%dma_start3A_706, %dma_start3A_715, %dma_start3A_716] : memref<6x16x1024xf32, #tpu.memory_space<vmem>> -> memref<1x16x1024xf32, #tpu.memory_space<vmem>>
      %dma_start3A_718 = tpu.memref_squeeze %dma_start3A_717 : memref<1x16x1024xf32, #tpu.memory_space<vmem>> -> memref<16x1024xf32, #tpu.memory_space<vmem>>
      tpu.enqueue_dma source(%dma_start3A_718 : memref<16x1024xf32, #tpu.memory_space<vmem>>) target(%dma_start3A_714 : memref<16x1024xf32, #tpu.memory_space<hbm>>) target_semaphore(%arg17 : memref<!tpu.dma_semaphore, #tpu.memory_space<semaphore_mem>>)
      %dma_wait3A_719 = arith.constant 4 : i32
      %dma_wait3A_720 = arith.constant 0 : i32
      %dma_wait3A_721 = arith.constant 0 : i32
      %dma_wait3A_722 = tpu.memref_slice %arg6[%dma_wait3A_719, %dma_wait3A_720, %dma_wait3A_721] : memref<6x16x1024xf32, #tpu.memory_space<vmem>> -> memref<1x16x1024xf32, #tpu.memory_space<vmem>>
      %dma_wait3A_723 = tpu.memref_squeeze %dma_wait3A_722 : memref<1x16x1024xf32, #tpu.memory_space<vmem>> -> memref<16x1024xf32, #tpu.memory_space<vmem>>
      %dma_wait3A_724 = arith.constant 0 : i32
      %dma_wait3A_725 = tpu.memref_slice %arg4[%mul3A_2, %dma_wait3A_724] : memref<16384x1024xf32, #tpu.memory_space<hbm>> -> memref<16x1024xf32, #tpu.memory_space<hbm>>
      %dma_wait3A_726 = arith.constant 0 : i32
      %dma_wait3A_727 = tpu.memref_slice %arg4[%mul3A_2, %dma_wait3A_726] : memref<16384x1024xf32, #tpu.memory_space<hbm>> -> memref<16x1024xf32, #tpu.memory_space<hbm>>
      %dma_wait3A_728 = arith.constant 0 : i32
      %dma_wait3A_729 = arith.constant 0 : i32
      %dma_wait3A_730 = tpu.memref_slice %arg6[%dma_wait3A_719, %dma_wait3A_728, %dma_wait3A_729] : memref<6x16x1024xf32, #tpu.memory_space<vmem>> -> memref<1x16x1024xf32, #tpu.memory_space<vmem>>
      %dma_wait3A_731 = tpu.memref_squeeze %dma_wait3A_730 : memref<1x16x1024xf32, #tpu.memory_space<vmem>> -> memref<16x1024xf32, #tpu.memory_space<vmem>>
      tpu.wait_dma2 semaphore(%arg17 : memref<!tpu.dma_semaphore, #tpu.memory_space<semaphore_mem>>) src(%dma_wait3A_731 : memref<16x1024xf32, #tpu.memory_space<vmem>>) dst(%dma_wait3A_727 : memref<16x1024xf32, #tpu.memory_space<hbm>>)
      %add3A_732 = arith.constant 96 : i32
      %add3A_733 = arith.addi %add3A_689, %add3A_732 : i32
      %dma_start3A_734 = arith.constant 4 : i32
      %dma_start3A_735 = arith.constant 0 : i32
      %dma_start3A_736 = arith.constant 0 : i32
      %dma_start3A_737 = tpu.memref_slice %arg6[%dma_start3A_734, %dma_start3A_735, %dma_start3A_736] : memref<6x16x1024xf32, #tpu.memory_space<vmem>> -> memref<1x16x1024xf32, #tpu.memory_space<vmem>>
      %dma_start3A_738 = tpu.memref_squeeze %dma_start3A_737 : memref<1x16x1024xf32, #tpu.memory_space<vmem>> -> memref<16x1024xf32, #tpu.memory_space<vmem>>
      %dma_start3A_739 = tpu.memref_slice %arg5[%add3A_733] : memref<512xi32, #tpu.memory_space<vmem>> -> memref<16xi32, #tpu.memory_space<vmem>>
      %dma_start3A_740 = arith.constant 0 : i32
      %dma_start3A_741 = arith.constant 0 : i32
      %dma_start3A_742 = tpu.memref_slice %arg2[%dma_start3A_740, %dma_start3A_741] : memref<100000x1024xf32, #tpu.memory_space<hbm>> -> memref<100000x1024xf32, #tpu.memory_space<hbm>>
      tpu.enqueue_indirect_dma source(%dma_start3A_742 : memref<100000x1024xf32, #tpu.memory_space<hbm>>) target(%dma_start3A_738 : memref<16x1024xf32, #tpu.memory_space<vmem>>) offsets(%dma_start3A_739 : memref<16xi32, #tpu.memory_space<vmem>>) semaphore(%arg11 : memref<!tpu.dma_semaphore, #tpu.memory_space<semaphore_mem>>)
      %add3A_743 = arith.constant 80 : i32
      %add3A_744 = arith.addi %mul3A_467, %add3A_743 : i32
      %dma_wait3A_745 = arith.constant 5 : i32
      %dma_wait3A_746 = arith.constant 0 : i32
      %dma_wait3A_747 = arith.constant 0 : i32
      %dma_wait3A_748 = tpu.memref_slice %arg6[%dma_wait3A_745, %dma_wait3A_746, %dma_wait3A_747] : memref<6x16x1024xf32, #tpu.memory_space<vmem>> -> memref<1x16x1024xf32, #tpu.memory_space<vmem>>
      %dma_wait3A_749 = tpu.memref_squeeze %dma_wait3A_748 : memref<1x16x1024xf32, #tpu.memory_space<vmem>> -> memref<16x1024xf32, #tpu.memory_space<vmem>>
      %dma_wait3A_750 = arith.constant 0 : i32
      %dma_wait3A_751 = arith.constant 0 : i32
      %dma_wait3A_752 = tpu.memref_slice %arg2[%dma_wait3A_750, %dma_wait3A_751] : memref<100000x1024xf32, #tpu.memory_space<hbm>> -> memref<16x1024xf32, #tpu.memory_space<hbm>>
      %dma_wait3A_753 = arith.constant 0 : i32
      %dma_wait3A_754 = arith.constant 0 : i32
      %dma_wait3A_755 = tpu.memref_slice %arg6[%dma_wait3A_745, %dma_wait3A_753, %dma_wait3A_754] : memref<6x16x1024xf32, #tpu.memory_space<vmem>> -> memref<1x16x1024xf32, #tpu.memory_space<vmem>>
      %dma_wait3A_756 = tpu.memref_squeeze %dma_wait3A_755 : memref<1x16x1024xf32, #tpu.memory_space<vmem>> -> memref<16x1024xf32, #tpu.memory_space<vmem>>
      %dma_wait3A_757 = arith.constant 0 : i32
      %dma_wait3A_758 = arith.constant 0 : i32
      %dma_wait3A_759 = tpu.memref_slice %arg2[%dma_wait3A_757, %dma_wait3A_758] : memref<100000x1024xf32, #tpu.memory_space<hbm>> -> memref<16x1024xf32, #tpu.memory_space<hbm>>
      tpu.wait_dma2 semaphore(%arg12 : memref<!tpu.dma_semaphore, #tpu.memory_space<semaphore_mem>>) src(%dma_wait3A_759 : memref<16x1024xf32, #tpu.memory_space<hbm>>) dst(%dma_wait3A_756 : memref<16x1024xf32, #tpu.memory_space<vmem>>)
      %add3A_760 = arith.addi %mul3A_2, %add3A_744 : i32
      %dma_start3A_761 = arith.constant 5 : i32
      %dma_start3A_762 = arith.constant 0 : i32
      %dma_start3A_763 = arith.constant 0 : i32
      %dma_start3A_764 = tpu.memref_slice %arg6[%dma_start3A_761, %dma_start3A_762, %dma_start3A_763] : memref<6x16x1024xf32, #tpu.memory_space<vmem>> -> memref<1x16x1024xf32, #tpu.memory_space<vmem>>
      %dma_start3A_765 = tpu.memref_squeeze %dma_start3A_764 : memref<1x16x1024xf32, #tpu.memory_space<vmem>> -> memref<16x1024xf32, #tpu.memory_space<vmem>>
      %dma_start3A_766 = arith.constant 0 : i32
      %dma_start3A_767 = tpu.memref_slice %arg4[%add3A_760, %dma_start3A_766] : memref<16384x1024xf32, #tpu.memory_space<hbm>> -> memref<16x1024xf32, #tpu.memory_space<hbm>>
      %dma_start3A_768 = arith.constant 0 : i32
      %dma_start3A_769 = tpu.memref_slice %arg4[%add3A_760, %dma_start3A_768] : memref<16384x1024xf32, #tpu.memory_space<hbm>> -> memref<16x1024xf32, #tpu.memory_space<hbm>>
      %dma_start3A_770 = arith.constant 0 : i32
      %dma_start3A_771 = arith.constant 0 : i32
      %dma_start3A_772 = tpu.memref_slice %arg6[%dma_start3A_761, %dma_start3A_770, %dma_start3A_771] : memref<6x16x1024xf32, #tpu.memory_space<vmem>> -> memref<1x16x1024xf32, #tpu.memory_space<vmem>>
      %dma_start3A_773 = tpu.memref_squeeze %dma_start3A_772 : memref<1x16x1024xf32, #tpu.memory_space<vmem>> -> memref<16x1024xf32, #tpu.memory_space<vmem>>
      tpu.enqueue_dma source(%dma_start3A_773 : memref<16x1024xf32, #tpu.memory_space<vmem>>) target(%dma_start3A_769 : memref<16x1024xf32, #tpu.memory_space<hbm>>) target_semaphore(%arg18 : memref<!tpu.dma_semaphore, #tpu.memory_space<semaphore_mem>>)
      %dma_wait3A_774 = arith.constant 5 : i32
      %dma_wait3A_775 = arith.constant 0 : i32
      %dma_wait3A_776 = arith.constant 0 : i32
      %dma_wait3A_777 = tpu.memref_slice %arg6[%dma_wait3A_774, %dma_wait3A_775, %dma_wait3A_776] : memref<6x16x1024xf32, #tpu.memory_space<vmem>> -> memref<1x16x1024xf32, #tpu.memory_space<vmem>>
      %dma_wait3A_778 = tpu.memref_squeeze %dma_wait3A_777 : memref<1x16x1024xf32, #tpu.memory_space<vmem>> -> memref<16x1024xf32, #tpu.memory_space<vmem>>
      %dma_wait3A_779 = arith.constant 0 : i32
      %dma_wait3A_780 = tpu.memref_slice %arg4[%mul3A_2, %dma_wait3A_779] : memref<16384x1024xf32, #tpu.memory_space<hbm>> -> memref<16x1024xf32, #tpu.memory_space<hbm>>
      %dma_wait3A_781 = arith.constant 0 : i32
      %dma_wait3A_782 = tpu.memref_slice %arg4[%mul3A_2, %dma_wait3A_781] : memref<16384x1024xf32, #tpu.memory_space<hbm>> -> memref<16x1024xf32, #tpu.memory_space<hbm>>
      %dma_wait3A_783 = arith.constant 0 : i32
      %dma_wait3A_784 = arith.constant 0 : i32
      %dma_wait3A_785 = tpu.memref_slice %arg6[%dma_wait3A_774, %dma_wait3A_783, %dma_wait3A_784] : memref<6x16x1024xf32, #tpu.memory_space<vmem>> -> memref<1x16x1024xf32, #tpu.memory_space<vmem>>
      %dma_wait3A_786 = tpu.memref_squeeze %dma_wait3A_785 : memref<1x16x1024xf32, #tpu.memory_space<vmem>> -> memref<16x1024xf32, #tpu.memory_space<vmem>>
      tpu.wait_dma2 semaphore(%arg18 : memref<!tpu.dma_semaphore, #tpu.memory_space<semaphore_mem>>) src(%dma_wait3A_786 : memref<16x1024xf32, #tpu.memory_space<vmem>>) dst(%dma_wait3A_782 : memref<16x1024xf32, #tpu.memory_space<hbm>>)
      %add3A_787 = arith.constant 96 : i32
      %add3A_788 = arith.addi %add3A_744, %add3A_787 : i32
      %dma_start3A_789 = arith.constant 5 : i32
      %dma_start3A_790 = arith.constant 0 : i32
      %dma_start3A_791 = arith.constant 0 : i32
      %dma_start3A_792 = tpu.memref_slice %arg6[%dma_start3A_789, %dma_start3A_790, %dma_start3A_791] : memref<6x16x1024xf32, #tpu.memory_space<vmem>> -> memref<1x16x1024xf32, #tpu.memory_space<vmem>>
      %dma_start3A_793 = tpu.memref_squeeze %dma_start3A_792 : memref<1x16x1024xf32, #tpu.memory_space<vmem>> -> memref<16x1024xf32, #tpu.memory_space<vmem>>
      %dma_start3A_794 = tpu.memref_slice %arg5[%add3A_788] : memref<512xi32, #tpu.memory_space<vmem>> -> memref<16xi32, #tpu.memory_space<vmem>>
      %dma_start3A_795 = arith.constant 0 : i32
      %dma_start3A_796 = arith.constant 0 : i32
      %dma_start3A_797 = tpu.memref_slice %arg2[%dma_start3A_795, %dma_start3A_796] : memref<100000x1024xf32, #tpu.memory_space<hbm>> -> memref<100000x1024xf32, #tpu.memory_space<hbm>>
      tpu.enqueue_indirect_dma source(%dma_start3A_797 : memref<100000x1024xf32, #tpu.memory_space<hbm>>) target(%dma_start3A_793 : memref<16x1024xf32, #tpu.memory_space<vmem>>) offsets(%dma_start3A_794 : memref<16xi32, #tpu.memory_space<vmem>>) semaphore(%arg12 : memref<!tpu.dma_semaphore, #tpu.memory_space<semaphore_mem>>)
    }
    %scan3A_97 = arith.constant 4 : i32
    %dma_wait3A = arith.constant 0 : i32
    %dma_wait3A_98 = arith.constant 0 : i32
    %dma_wait3A_99 = arith.constant 0 : i32
    %dma_wait3A_100 = tpu.memref_slice %arg6[%dma_wait3A, %dma_wait3A_98, %dma_wait3A_99] : memref<6x16x1024xf32, #tpu.memory_space<vmem>> -> memref<1x16x1024xf32, #tpu.memory_space<vmem>>
    %dma_wait3A_101 = tpu.memref_squeeze %dma_wait3A_100 : memref<1x16x1024xf32, #tpu.memory_space<vmem>> -> memref<16x1024xf32, #tpu.memory_space<vmem>>
    %dma_wait3A_102 = arith.constant 0 : i32
    %dma_wait3A_103 = arith.constant 0 : i32
    %dma_wait3A_104 = tpu.memref_slice %arg2[%dma_wait3A_102, %dma_wait3A_103] : memref<100000x1024xf32, #tpu.memory_space<hbm>> -> memref<16x1024xf32, #tpu.memory_space<hbm>>
    %dma_wait3A_105 = arith.constant 0 : i32
    %dma_wait3A_106 = arith.constant 0 : i32
    %dma_wait3A_107 = tpu.memref_slice %arg6[%dma_wait3A, %dma_wait3A_105, %dma_wait3A_106] : memref<6x16x1024xf32, #tpu.memory_space<vmem>> -> memref<1x16x1024xf32, #tpu.memory_space<vmem>>
    %dma_wait3A_108 = tpu.memref_squeeze %dma_wait3A_107 : memref<1x16x1024xf32, #tpu.memory_space<vmem>> -> memref<16x1024xf32, #tpu.memory_space<vmem>>
    %dma_wait3A_109 = arith.constant 0 : i32
    %dma_wait3A_110 = arith.constant 0 : i32
    %dma_wait3A_111 = tpu.memref_slice %arg2[%dma_wait3A_109, %dma_wait3A_110] : memref<100000x1024xf32, #tpu.memory_space<hbm>> -> memref<16x1024xf32, #tpu.memory_space<hbm>>
    tpu.wait_dma2 semaphore(%arg7 : memref<!tpu.dma_semaphore, #tpu.memory_space<semaphore_mem>>) src(%dma_wait3A_111 : memref<16x1024xf32, #tpu.memory_space<hbm>>) dst(%dma_wait3A_108 : memref<16x1024xf32, #tpu.memory_space<vmem>>)
    %add3A_112 = arith.constant 384 : i32
    %add3A_113 = arith.addi %mul3A_2, %add3A_112 : i32
    %dma_start3A_114 = arith.constant 0 : i32
    %dma_start3A_115 = arith.constant 0 : i32
    %dma_start3A_116 = arith.constant 0 : i32
    %dma_start3A_117 = tpu.memref_slice %arg6[%dma_start3A_114, %dma_start3A_115, %dma_start3A_116] : memref<6x16x1024xf32, #tpu.memory_space<vmem>> -> memref<1x16x1024xf32, #tpu.memory_space<vmem>>
    %dma_start3A_118 = tpu.memref_squeeze %dma_start3A_117 : memref<1x16x1024xf32, #tpu.memory_space<vmem>> -> memref<16x1024xf32, #tpu.memory_space<vmem>>
    %dma_start3A_119 = arith.constant 0 : i32
    %dma_start3A_120 = tpu.memref_slice %arg4[%add3A_113, %dma_start3A_119] : memref<16384x1024xf32, #tpu.memory_space<hbm>> -> memref<16x1024xf32, #tpu.memory_space<hbm>>
    %dma_start3A_121 = arith.constant 0 : i32
    %dma_start3A_122 = tpu.memref_slice %arg4[%add3A_113, %dma_start3A_121] : memref<16384x1024xf32, #tpu.memory_space<hbm>> -> memref<16x1024xf32, #tpu.memory_space<hbm>>
    %dma_start3A_123 = arith.constant 0 : i32
    %dma_start3A_124 = arith.constant 0 : i32
    %dma_start3A_125 = tpu.memref_slice %arg6[%dma_start3A_114, %dma_start3A_123, %dma_start3A_124] : memref<6x16x1024xf32, #tpu.memory_space<vmem>> -> memref<1x16x1024xf32, #tpu.memory_space<vmem>>
    %dma_start3A_126 = tpu.memref_squeeze %dma_start3A_125 : memref<1x16x1024xf32, #tpu.memory_space<vmem>> -> memref<16x1024xf32, #tpu.memory_space<vmem>>
    tpu.enqueue_dma source(%dma_start3A_126 : memref<16x1024xf32, #tpu.memory_space<vmem>>) target(%dma_start3A_122 : memref<16x1024xf32, #tpu.memory_space<hbm>>) target_semaphore(%arg13 : memref<!tpu.dma_semaphore, #tpu.memory_space<semaphore_mem>>)
    %dma_wait3A_127 = arith.constant 0 : i32
    %dma_wait3A_128 = arith.constant 0 : i32
    %dma_wait3A_129 = arith.constant 0 : i32
    %dma_wait3A_130 = tpu.memref_slice %arg6[%dma_wait3A_127, %dma_wait3A_128, %dma_wait3A_129] : memref<6x16x1024xf32, #tpu.memory_space<vmem>> -> memref<1x16x1024xf32, #tpu.memory_space<vmem>>
    %dma_wait3A_131 = tpu.memref_squeeze %dma_wait3A_130 : memref<1x16x1024xf32, #tpu.memory_space<vmem>> -> memref<16x1024xf32, #tpu.memory_space<vmem>>
    %dma_wait3A_132 = arith.constant 0 : i32
    %dma_wait3A_133 = tpu.memref_slice %arg4[%mul3A_2, %dma_wait3A_132] : memref<16384x1024xf32, #tpu.memory_space<hbm>> -> memref<16x1024xf32, #tpu.memory_space<hbm>>
    %dma_wait3A_134 = arith.constant 0 : i32
    %dma_wait3A_135 = tpu.memref_slice %arg4[%mul3A_2, %dma_wait3A_134] : memref<16384x1024xf32, #tpu.memory_space<hbm>> -> memref<16x1024xf32, #tpu.memory_space<hbm>>
    %dma_wait3A_136 = arith.constant 0 : i32
    %dma_wait3A_137 = arith.constant 0 : i32
    %dma_wait3A_138 = tpu.memref_slice %arg6[%dma_wait3A_127, %dma_wait3A_136, %dma_wait3A_137] : memref<6x16x1024xf32, #tpu.memory_space<vmem>> -> memref<1x16x1024xf32, #tpu.memory_space<vmem>>
    %dma_wait3A_139 = tpu.memref_squeeze %dma_wait3A_138 : memref<1x16x1024xf32, #tpu.memory_space<vmem>> -> memref<16x1024xf32, #tpu.memory_space<vmem>>
    tpu.wait_dma2 semaphore(%arg13 : memref<!tpu.dma_semaphore, #tpu.memory_space<semaphore_mem>>) src(%dma_wait3A_139 : memref<16x1024xf32, #tpu.memory_space<vmem>>) dst(%dma_wait3A_135 : memref<16x1024xf32, #tpu.memory_space<hbm>>)
    %dma_start3A_140 = arith.constant 0 : i32
    %dma_start3A_141 = arith.constant 0 : i32
    %dma_start3A_142 = arith.constant 0 : i32
    %dma_start3A_143 = tpu.memref_slice %arg6[%dma_start3A_140, %dma_start3A_141, %dma_start3A_142] : memref<6x16x1024xf32, #tpu.memory_space<vmem>> -> memref<1x16x1024xf32, #tpu.memory_space<vmem>>
    %dma_start3A_144 = tpu.memref_squeeze %dma_start3A_143 : memref<1x16x1024xf32, #tpu.memory_space<vmem>> -> memref<16x1024xf32, #tpu.memory_space<vmem>>
    %dma_start3A_145 = arith.constant 480 : i32
    %dma_start3A_146 = tpu.memref_slice %arg5[%dma_start3A_145] : memref<512xi32, #tpu.memory_space<vmem>> -> memref<16xi32, #tpu.memory_space<vmem>>
    %dma_start3A_147 = arith.constant 0 : i32
    %dma_start3A_148 = arith.constant 0 : i32
    %dma_start3A_149 = tpu.memref_slice %arg2[%dma_start3A_147, %dma_start3A_148] : memref<100000x1024xf32, #tpu.memory_space<hbm>> -> memref<100000x1024xf32, #tpu.memory_space<hbm>>
    tpu.enqueue_indirect_dma source(%dma_start3A_149 : memref<100000x1024xf32, #tpu.memory_space<hbm>>) target(%dma_start3A_144 : memref<16x1024xf32, #tpu.memory_space<vmem>>) offsets(%dma_start3A_146 : memref<16xi32, #tpu.memory_space<vmem>>) semaphore(%arg7 : memref<!tpu.dma_semaphore, #tpu.memory_space<semaphore_mem>>)
    %dma_wait3A_150 = arith.constant 1 : i32
    %dma_wait3A_151 = arith.constant 0 : i32
    %dma_wait3A_152 = arith.constant 0 : i32
    %dma_wait3A_153 = tpu.memref_slice %arg6[%dma_wait3A_150, %dma_wait3A_151, %dma_wait3A_152] : memref<6x16x1024xf32, #tpu.memory_space<vmem>> -> memref<1x16x1024xf32, #tpu.memory_space<vmem>>
    %dma_wait3A_154 = tpu.memref_squeeze %dma_wait3A_153 : memref<1x16x1024xf32, #tpu.memory_space<vmem>> -> memref<16x1024xf32, #tpu.memory_space<vmem>>
    %dma_wait3A_155 = arith.constant 0 : i32
    %dma_wait3A_156 = arith.constant 0 : i32
    %dma_wait3A_157 = tpu.memref_slice %arg2[%dma_wait3A_155, %dma_wait3A_156] : memref<100000x1024xf32, #tpu.memory_space<hbm>> -> memref<16x1024xf32, #tpu.memory_space<hbm>>
    %dma_wait3A_158 = arith.constant 0 : i32
    %dma_wait3A_159 = arith.constant 0 : i32
    %dma_wait3A_160 = tpu.memref_slice %arg6[%dma_wait3A_150, %dma_wait3A_158, %dma_wait3A_159] : memref<6x16x1024xf32, #tpu.memory_space<vmem>> -> memref<1x16x1024xf32, #tpu.memory_space<vmem>>
    %dma_wait3A_161 = tpu.memref_squeeze %dma_wait3A_160 : memref<1x16x1024xf32, #tpu.memory_space<vmem>> -> memref<16x1024xf32, #tpu.memory_space<vmem>>
    %dma_wait3A_162 = arith.constant 0 : i32
    %dma_wait3A_163 = arith.constant 0 : i32
    %dma_wait3A_164 = tpu.memref_slice %arg2[%dma_wait3A_162, %dma_wait3A_163] : memref<100000x1024xf32, #tpu.memory_space<hbm>> -> memref<16x1024xf32, #tpu.memory_space<hbm>>
    tpu.wait_dma2 semaphore(%arg8 : memref<!tpu.dma_semaphore, #tpu.memory_space<semaphore_mem>>) src(%dma_wait3A_164 : memref<16x1024xf32, #tpu.memory_space<hbm>>) dst(%dma_wait3A_161 : memref<16x1024xf32, #tpu.memory_space<vmem>>)
    %add3A_165 = arith.constant 400 : i32
    %add3A_166 = arith.addi %mul3A_2, %add3A_165 : i32
    %dma_start3A_167 = arith.constant 1 : i32
    %dma_start3A_168 = arith.constant 0 : i32
    %dma_start3A_169 = arith.constant 0 : i32
    %dma_start3A_170 = tpu.memref_slice %arg6[%dma_start3A_167, %dma_start3A_168, %dma_start3A_169] : memref<6x16x1024xf32, #tpu.memory_space<vmem>> -> memref<1x16x1024xf32, #tpu.memory_space<vmem>>
    %dma_start3A_171 = tpu.memref_squeeze %dma_start3A_170 : memref<1x16x1024xf32, #tpu.memory_space<vmem>> -> memref<16x1024xf32, #tpu.memory_space<vmem>>
    %dma_start3A_172 = arith.constant 0 : i32
    %dma_start3A_173 = tpu.memref_slice %arg4[%add3A_166, %dma_start3A_172] : memref<16384x1024xf32, #tpu.memory_space<hbm>> -> memref<16x1024xf32, #tpu.memory_space<hbm>>
    %dma_start3A_174 = arith.constant 0 : i32
    %dma_start3A_175 = tpu.memref_slice %arg4[%add3A_166, %dma_start3A_174] : memref<16384x1024xf32, #tpu.memory_space<hbm>> -> memref<16x1024xf32, #tpu.memory_space<hbm>>
    %dma_start3A_176 = arith.constant 0 : i32
    %dma_start3A_177 = arith.constant 0 : i32
    %dma_start3A_178 = tpu.memref_slice %arg6[%dma_start3A_167, %dma_start3A_176, %dma_start3A_177] : memref<6x16x1024xf32, #tpu.memory_space<vmem>> -> memref<1x16x1024xf32, #tpu.memory_space<vmem>>
    %dma_start3A_179 = tpu.memref_squeeze %dma_start3A_178 : memref<1x16x1024xf32, #tpu.memory_space<vmem>> -> memref<16x1024xf32, #tpu.memory_space<vmem>>
    tpu.enqueue_dma source(%dma_start3A_179 : memref<16x1024xf32, #tpu.memory_space<vmem>>) target(%dma_start3A_175 : memref<16x1024xf32, #tpu.memory_space<hbm>>) target_semaphore(%arg14 : memref<!tpu.dma_semaphore, #tpu.memory_space<semaphore_mem>>)
    %dma_wait3A_180 = arith.constant 1 : i32
    %dma_wait3A_181 = arith.constant 0 : i32
    %dma_wait3A_182 = arith.constant 0 : i32
    %dma_wait3A_183 = tpu.memref_slice %arg6[%dma_wait3A_180, %dma_wait3A_181, %dma_wait3A_182] : memref<6x16x1024xf32, #tpu.memory_space<vmem>> -> memref<1x16x1024xf32, #tpu.memory_space<vmem>>
    %dma_wait3A_184 = tpu.memref_squeeze %dma_wait3A_183 : memref<1x16x1024xf32, #tpu.memory_space<vmem>> -> memref<16x1024xf32, #tpu.memory_space<vmem>>
    %dma_wait3A_185 = arith.constant 0 : i32
    %dma_wait3A_186 = tpu.memref_slice %arg4[%mul3A_2, %dma_wait3A_185] : memref<16384x1024xf32, #tpu.memory_space<hbm>> -> memref<16x1024xf32, #tpu.memory_space<hbm>>
    %dma_wait3A_187 = arith.constant 0 : i32
    %dma_wait3A_188 = tpu.memref_slice %arg4[%mul3A_2, %dma_wait3A_187] : memref<16384x1024xf32, #tpu.memory_space<hbm>> -> memref<16x1024xf32, #tpu.memory_space<hbm>>
    %dma_wait3A_189 = arith.constant 0 : i32
    %dma_wait3A_190 = arith.constant 0 : i32
    %dma_wait3A_191 = tpu.memref_slice %arg6[%dma_wait3A_180, %dma_wait3A_189, %dma_wait3A_190] : memref<6x16x1024xf32, #tpu.memory_space<vmem>> -> memref<1x16x1024xf32, #tpu.memory_space<vmem>>
    %dma_wait3A_192 = tpu.memref_squeeze %dma_wait3A_191 : memref<1x16x1024xf32, #tpu.memory_space<vmem>> -> memref<16x1024xf32, #tpu.memory_space<vmem>>
    tpu.wait_dma2 semaphore(%arg14 : memref<!tpu.dma_semaphore, #tpu.memory_space<semaphore_mem>>) src(%dma_wait3A_192 : memref<16x1024xf32, #tpu.memory_space<vmem>>) dst(%dma_wait3A_188 : memref<16x1024xf32, #tpu.memory_space<hbm>>)
    %dma_start3A_193 = arith.constant 1 : i32
    %dma_start3A_194 = arith.constant 0 : i32
    %dma_start3A_195 = arith.constant 0 : i32
    %dma_start3A_196 = tpu.memref_slice %arg6[%dma_start3A_193, %dma_start3A_194, %dma_start3A_195] : memref<6x16x1024xf32, #tpu.memory_space<vmem>> -> memref<1x16x1024xf32, #tpu.memory_space<vmem>>
    %dma_start3A_197 = tpu.memref_squeeze %dma_start3A_196 : memref<1x16x1024xf32, #tpu.memory_space<vmem>> -> memref<16x1024xf32, #tpu.memory_space<vmem>>
    %dma_start3A_198 = arith.constant 496 : i32
    %dma_start3A_199 = tpu.memref_slice %arg5[%dma_start3A_198] : memref<512xi32, #tpu.memory_space<vmem>> -> memref<16xi32, #tpu.memory_space<vmem>>
    %dma_start3A_200 = arith.constant 0 : i32
    %dma_start3A_201 = arith.constant 0 : i32
    %dma_start3A_202 = tpu.memref_slice %arg2[%dma_start3A_200, %dma_start3A_201] : memref<100000x1024xf32, #tpu.memory_space<hbm>> -> memref<100000x1024xf32, #tpu.memory_space<hbm>>
    tpu.enqueue_indirect_dma source(%dma_start3A_202 : memref<100000x1024xf32, #tpu.memory_space<hbm>>) target(%dma_start3A_197 : memref<16x1024xf32, #tpu.memory_space<vmem>>) offsets(%dma_start3A_199 : memref<16xi32, #tpu.memory_space<vmem>>) semaphore(%arg8 : memref<!tpu.dma_semaphore, #tpu.memory_space<semaphore_mem>>)
    %dma_wait3A_203 = arith.constant 2 : i32
    %dma_wait3A_204 = arith.constant 0 : i32
    %dma_wait3A_205 = arith.constant 0 : i32
    %dma_wait3A_206 = tpu.memref_slice %arg6[%dma_wait3A_203, %dma_wait3A_204, %dma_wait3A_205] : memref<6x16x1024xf32, #tpu.memory_space<vmem>> -> memref<1x16x1024xf32, #tpu.memory_space<vmem>>
    %dma_wait3A_207 = tpu.memref_squeeze %dma_wait3A_206 : memref<1x16x1024xf32, #tpu.memory_space<vmem>> -> memref<16x1024xf32, #tpu.memory_space<vmem>>
    %dma_wait3A_208 = arith.constant 0 : i32
    %dma_wait3A_209 = arith.constant 0 : i32
    %dma_wait3A_210 = tpu.memref_slice %arg2[%dma_wait3A_208, %dma_wait3A_209] : memref<100000x1024xf32, #tpu.memory_space<hbm>> -> memref<16x1024xf32, #tpu.memory_space<hbm>>
    %dma_wait3A_211 = arith.constant 0 : i32
    %dma_wait3A_212 = arith.constant 0 : i32
    %dma_wait3A_213 = tpu.memref_slice %arg6[%dma_wait3A_203, %dma_wait3A_211, %dma_wait3A_212] : memref<6x16x1024xf32, #tpu.memory_space<vmem>> -> memref<1x16x1024xf32, #tpu.memory_space<vmem>>
    %dma_wait3A_214 = tpu.memref_squeeze %dma_wait3A_213 : memref<1x16x1024xf32, #tpu.memory_space<vmem>> -> memref<16x1024xf32, #tpu.memory_space<vmem>>
    %dma_wait3A_215 = arith.constant 0 : i32
    %dma_wait3A_216 = arith.constant 0 : i32
    %dma_wait3A_217 = tpu.memref_slice %arg2[%dma_wait3A_215, %dma_wait3A_216] : memref<100000x1024xf32, #tpu.memory_space<hbm>> -> memref<16x1024xf32, #tpu.memory_space<hbm>>
    tpu.wait_dma2 semaphore(%arg9 : memref<!tpu.dma_semaphore, #tpu.memory_space<semaphore_mem>>) src(%dma_wait3A_217 : memref<16x1024xf32, #tpu.memory_space<hbm>>) dst(%dma_wait3A_214 : memref<16x1024xf32, #tpu.memory_space<vmem>>)
    %add3A_218 = arith.constant 416 : i32
    %add3A_219 = arith.addi %mul3A_2, %add3A_218 : i32
    %dma_start3A_220 = arith.constant 2 : i32
    %dma_start3A_221 = arith.constant 0 : i32
    %dma_start3A_222 = arith.constant 0 : i32
    %dma_start3A_223 = tpu.memref_slice %arg6[%dma_start3A_220, %dma_start3A_221, %dma_start3A_222] : memref<6x16x1024xf32, #tpu.memory_space<vmem>> -> memref<1x16x1024xf32, #tpu.memory_space<vmem>>
    %dma_start3A_224 = tpu.memref_squeeze %dma_start3A_223 : memref<1x16x1024xf32, #tpu.memory_space<vmem>> -> memref<16x1024xf32, #tpu.memory_space<vmem>>
    %dma_start3A_225 = arith.constant 0 : i32
    %dma_start3A_226 = tpu.memref_slice %arg4[%add3A_219, %dma_start3A_225] : memref<16384x1024xf32, #tpu.memory_space<hbm>> -> memref<16x1024xf32, #tpu.memory_space<hbm>>
    %dma_start3A_227 = arith.constant 0 : i32
    %dma_start3A_228 = tpu.memref_slice %arg4[%add3A_219, %dma_start3A_227] : memref<16384x1024xf32, #tpu.memory_space<hbm>> -> memref<16x1024xf32, #tpu.memory_space<hbm>>
    %dma_start3A_229 = arith.constant 0 : i32
    %dma_start3A_230 = arith.constant 0 : i32
    %dma_start3A_231 = tpu.memref_slice %arg6[%dma_start3A_220, %dma_start3A_229, %dma_start3A_230] : memref<6x16x1024xf32, #tpu.memory_space<vmem>> -> memref<1x16x1024xf32, #tpu.memory_space<vmem>>
    %dma_start3A_232 = tpu.memref_squeeze %dma_start3A_231 : memref<1x16x1024xf32, #tpu.memory_space<vmem>> -> memref<16x1024xf32, #tpu.memory_space<vmem>>
    tpu.enqueue_dma source(%dma_start3A_232 : memref<16x1024xf32, #tpu.memory_space<vmem>>) target(%dma_start3A_228 : memref<16x1024xf32, #tpu.memory_space<hbm>>) target_semaphore(%arg15 : memref<!tpu.dma_semaphore, #tpu.memory_space<semaphore_mem>>)
    %dma_wait3A_233 = arith.constant 3 : i32
    %dma_wait3A_234 = arith.constant 0 : i32
    %dma_wait3A_235 = arith.constant 0 : i32
    %dma_wait3A_236 = tpu.memref_slice %arg6[%dma_wait3A_233, %dma_wait3A_234, %dma_wait3A_235] : memref<6x16x1024xf32, #tpu.memory_space<vmem>> -> memref<1x16x1024xf32, #tpu.memory_space<vmem>>
    %dma_wait3A_237 = tpu.memref_squeeze %dma_wait3A_236 : memref<1x16x1024xf32, #tpu.memory_space<vmem>> -> memref<16x1024xf32, #tpu.memory_space<vmem>>
    %dma_wait3A_238 = arith.constant 0 : i32
    %dma_wait3A_239 = arith.constant 0 : i32
    %dma_wait3A_240 = tpu.memref_slice %arg2[%dma_wait3A_238, %dma_wait3A_239] : memref<100000x1024xf32, #tpu.memory_space<hbm>> -> memref<16x1024xf32, #tpu.memory_space<hbm>>
    %dma_wait3A_241 = arith.constant 0 : i32
    %dma_wait3A_242 = arith.constant 0 : i32
    %dma_wait3A_243 = tpu.memref_slice %arg6[%dma_wait3A_233, %dma_wait3A_241, %dma_wait3A_242] : memref<6x16x1024xf32, #tpu.memory_space<vmem>> -> memref<1x16x1024xf32, #tpu.memory_space<vmem>>
    %dma_wait3A_244 = tpu.memref_squeeze %dma_wait3A_243 : memref<1x16x1024xf32, #tpu.memory_space<vmem>> -> memref<16x1024xf32, #tpu.memory_space<vmem>>
    %dma_wait3A_245 = arith.constant 0 : i32
    %dma_wait3A_246 = arith.constant 0 : i32
    %dma_wait3A_247 = tpu.memref_slice %arg2[%dma_wait3A_245, %dma_wait3A_246] : memref<100000x1024xf32, #tpu.memory_space<hbm>> -> memref<16x1024xf32, #tpu.memory_space<hbm>>
    tpu.wait_dma2 semaphore(%arg10 : memref<!tpu.dma_semaphore, #tpu.memory_space<semaphore_mem>>) src(%dma_wait3A_247 : memref<16x1024xf32, #tpu.memory_space<hbm>>) dst(%dma_wait3A_244 : memref<16x1024xf32, #tpu.memory_space<vmem>>)
    %add3A_248 = arith.constant 432 : i32
    %add3A_249 = arith.addi %mul3A_2, %add3A_248 : i32
    %dma_start3A_250 = arith.constant 3 : i32
    %dma_start3A_251 = arith.constant 0 : i32
    %dma_start3A_252 = arith.constant 0 : i32
    %dma_start3A_253 = tpu.memref_slice %arg6[%dma_start3A_250, %dma_start3A_251, %dma_start3A_252] : memref<6x16x1024xf32, #tpu.memory_space<vmem>> -> memref<1x16x1024xf32, #tpu.memory_space<vmem>>
    %dma_start3A_254 = tpu.memref_squeeze %dma_start3A_253 : memref<1x16x1024xf32, #tpu.memory_space<vmem>> -> memref<16x1024xf32, #tpu.memory_space<vmem>>
    %dma_start3A_255 = arith.constant 0 : i32
    %dma_start3A_256 = tpu.memref_slice %arg4[%add3A_249, %dma_start3A_255] : memref<16384x1024xf32, #tpu.memory_space<hbm>> -> memref<16x1024xf32, #tpu.memory_space<hbm>>
    %dma_start3A_257 = arith.constant 0 : i32
    %dma_start3A_258 = tpu.memref_slice %arg4[%add3A_249, %dma_start3A_257] : memref<16384x1024xf32, #tpu.memory_space<hbm>> -> memref<16x1024xf32, #tpu.memory_space<hbm>>
    %dma_start3A_259 = arith.constant 0 : i32
    %dma_start3A_260 = arith.constant 0 : i32
    %dma_start3A_261 = tpu.memref_slice %arg6[%dma_start3A_250, %dma_start3A_259, %dma_start3A_260] : memref<6x16x1024xf32, #tpu.memory_space<vmem>> -> memref<1x16x1024xf32, #tpu.memory_space<vmem>>
    %dma_start3A_262 = tpu.memref_squeeze %dma_start3A_261 : memref<1x16x1024xf32, #tpu.memory_space<vmem>> -> memref<16x1024xf32, #tpu.memory_space<vmem>>
    tpu.enqueue_dma source(%dma_start3A_262 : memref<16x1024xf32, #tpu.memory_space<vmem>>) target(%dma_start3A_258 : memref<16x1024xf32, #tpu.memory_space<hbm>>) target_semaphore(%arg16 : memref<!tpu.dma_semaphore, #tpu.memory_space<semaphore_mem>>)
    %dma_wait3A_263 = arith.constant 4 : i32
    %dma_wait3A_264 = arith.constant 0 : i32
    %dma_wait3A_265 = arith.constant 0 : i32
    %dma_wait3A_266 = tpu.memref_slice %arg6[%dma_wait3A_263, %dma_wait3A_264, %dma_wait3A_265] : memref<6x16x1024xf32, #tpu.memory_space<vmem>> -> memref<1x16x1024xf32, #tpu.memory_space<vmem>>
    %dma_wait3A_267 = tpu.memref_squeeze %dma_wait3A_266 : memref<1x16x1024xf32, #tpu.memory_space<vmem>> -> memref<16x1024xf32, #tpu.memory_space<vmem>>
    %dma_wait3A_268 = arith.constant 0 : i32
    %dma_wait3A_269 = arith.constant 0 : i32
    %dma_wait3A_270 = tpu.memref_slice %arg2[%dma_wait3A_268, %dma_wait3A_269] : memref<100000x1024xf32, #tpu.memory_space<hbm>> -> memref<16x1024xf32, #tpu.memory_space<hbm>>
    %dma_wait3A_271 = arith.constant 0 : i32
    %dma_wait3A_272 = arith.constant 0 : i32
    %dma_wait3A_273 = tpu.memref_slice %arg6[%dma_wait3A_263, %dma_wait3A_271, %dma_wait3A_272] : memref<6x16x1024xf32, #tpu.memory_space<vmem>> -> memref<1x16x1024xf32, #tpu.memory_space<vmem>>
    %dma_wait3A_274 = tpu.memref_squeeze %dma_wait3A_273 : memref<1x16x1024xf32, #tpu.memory_space<vmem>> -> memref<16x1024xf32, #tpu.memory_space<vmem>>
    %dma_wait3A_275 = arith.constant 0 : i32
    %dma_wait3A_276 = arith.constant 0 : i32
    %dma_wait3A_277 = tpu.memref_slice %arg2[%dma_wait3A_275, %dma_wait3A_276] : memref<100000x1024xf32, #tpu.memory_space<hbm>> -> memref<16x1024xf32, #tpu.memory_space<hbm>>
    tpu.wait_dma2 semaphore(%arg11 : memref<!tpu.dma_semaphore, #tpu.memory_space<semaphore_mem>>) src(%dma_wait3A_277 : memref<16x1024xf32, #tpu.memory_space<hbm>>) dst(%dma_wait3A_274 : memref<16x1024xf32, #tpu.memory_space<vmem>>)
    %add3A_278 = arith.constant 448 : i32
    %add3A_279 = arith.addi %mul3A_2, %add3A_278 : i32
    %dma_start3A_280 = arith.constant 4 : i32
    %dma_start3A_281 = arith.constant 0 : i32
    %dma_start3A_282 = arith.constant 0 : i32
    %dma_start3A_283 = tpu.memref_slice %arg6[%dma_start3A_280, %dma_start3A_281, %dma_start3A_282] : memref<6x16x1024xf32, #tpu.memory_space<vmem>> -> memref<1x16x1024xf32, #tpu.memory_space<vmem>>
    %dma_start3A_284 = tpu.memref_squeeze %dma_start3A_283 : memref<1x16x1024xf32, #tpu.memory_space<vmem>> -> memref<16x1024xf32, #tpu.memory_space<vmem>>
    %dma_start3A_285 = arith.constant 0 : i32
    %dma_start3A_286 = tpu.memref_slice %arg4[%add3A_279, %dma_start3A_285] : memref<16384x1024xf32, #tpu.memory_space<hbm>> -> memref<16x1024xf32, #tpu.memory_space<hbm>>
    %dma_start3A_287 = arith.constant 0 : i32
    %dma_start3A_288 = tpu.memref_slice %arg4[%add3A_279, %dma_start3A_287] : memref<16384x1024xf32, #tpu.memory_space<hbm>> -> memref<16x1024xf32, #tpu.memory_space<hbm>>
    %dma_start3A_289 = arith.constant 0 : i32
    %dma_start3A_290 = arith.constant 0 : i32
    %dma_start3A_291 = tpu.memref_slice %arg6[%dma_start3A_280, %dma_start3A_289, %dma_start3A_290] : memref<6x16x1024xf32, #tpu.memory_space<vmem>> -> memref<1x16x1024xf32, #tpu.memory_space<vmem>>
    %dma_start3A_292 = tpu.memref_squeeze %dma_start3A_291 : memref<1x16x1024xf32, #tpu.memory_space<vmem>> -> memref<16x1024xf32, #tpu.memory_space<vmem>>
    tpu.enqueue_dma source(%dma_start3A_292 : memref<16x1024xf32, #tpu.memory_space<vmem>>) target(%dma_start3A_288 : memref<16x1024xf32, #tpu.memory_space<hbm>>) target_semaphore(%arg17 : memref<!tpu.dma_semaphore, #tpu.memory_space<semaphore_mem>>)
    %dma_wait3A_293 = arith.constant 5 : i32
    %dma_wait3A_294 = arith.constant 0 : i32
    %dma_wait3A_295 = arith.constant 0 : i32
    %dma_wait3A_296 = tpu.memref_slice %arg6[%dma_wait3A_293, %dma_wait3A_294, %dma_wait3A_295] : memref<6x16x1024xf32, #tpu.memory_space<vmem>> -> memref<1x16x1024xf32, #tpu.memory_space<vmem>>
    %dma_wait3A_297 = tpu.memref_squeeze %dma_wait3A_296 : memref<1x16x1024xf32, #tpu.memory_space<vmem>> -> memref<16x1024xf32, #tpu.memory_space<vmem>>
    %dma_wait3A_298 = arith.constant 0 : i32
    %dma_wait3A_299 = arith.constant 0 : i32
    %dma_wait3A_300 = tpu.memref_slice %arg2[%dma_wait3A_298, %dma_wait3A_299] : memref<100000x1024xf32, #tpu.memory_space<hbm>> -> memref<16x1024xf32, #tpu.memory_space<hbm>>
    %dma_wait3A_301 = arith.constant 0 : i32
    %dma_wait3A_302 = arith.constant 0 : i32
    %dma_wait3A_303 = tpu.memref_slice %arg6[%dma_wait3A_293, %dma_wait3A_301, %dma_wait3A_302] : memref<6x16x1024xf32, #tpu.memory_space<vmem>> -> memref<1x16x1024xf32, #tpu.memory_space<vmem>>
    %dma_wait3A_304 = tpu.memref_squeeze %dma_wait3A_303 : memref<1x16x1024xf32, #tpu.memory_space<vmem>> -> memref<16x1024xf32, #tpu.memory_space<vmem>>
    %dma_wait3A_305 = arith.constant 0 : i32
    %dma_wait3A_306 = arith.constant 0 : i32
    %dma_wait3A_307 = tpu.memref_slice %arg2[%dma_wait3A_305, %dma_wait3A_306] : memref<100000x1024xf32, #tpu.memory_space<hbm>> -> memref<16x1024xf32, #tpu.memory_space<hbm>>
    tpu.wait_dma2 semaphore(%arg12 : memref<!tpu.dma_semaphore, #tpu.memory_space<semaphore_mem>>) src(%dma_wait3A_307 : memref<16x1024xf32, #tpu.memory_space<hbm>>) dst(%dma_wait3A_304 : memref<16x1024xf32, #tpu.memory_space<vmem>>)
    %add3A_308 = arith.constant 464 : i32
    %add3A_309 = arith.addi %mul3A_2, %add3A_308 : i32
    %dma_start3A_310 = arith.constant 5 : i32
    %dma_start3A_311 = arith.constant 0 : i32
    %dma_start3A_312 = arith.constant 0 : i32
    %dma_start3A_313 = tpu.memref_slice %arg6[%dma_start3A_310, %dma_start3A_311, %dma_start3A_312] : memref<6x16x1024xf32, #tpu.memory_space<vmem>> -> memref<1x16x1024xf32, #tpu.memory_space<vmem>>
    %dma_start3A_314 = tpu.memref_squeeze %dma_start3A_313 : memref<1x16x1024xf32, #tpu.memory_space<vmem>> -> memref<16x1024xf32, #tpu.memory_space<vmem>>
    %dma_start3A_315 = arith.constant 0 : i32
    %dma_start3A_316 = tpu.memref_slice %arg4[%add3A_309, %dma_start3A_315] : memref<16384x1024xf32, #tpu.memory_space<hbm>> -> memref<16x1024xf32, #tpu.memory_space<hbm>>
    %dma_start3A_317 = arith.constant 0 : i32
    %dma_start3A_318 = tpu.memref_slice %arg4[%add3A_309, %dma_start3A_317] : memref<16384x1024xf32, #tpu.memory_space<hbm>> -> memref<16x1024xf32, #tpu.memory_space<hbm>>
    %dma_start3A_319 = arith.constant 0 : i32
    %dma_start3A_320 = arith.constant 0 : i32
    %dma_start3A_321 = tpu.memref_slice %arg6[%dma_start3A_310, %dma_start3A_319, %dma_start3A_320] : memref<6x16x1024xf32, #tpu.memory_space<vmem>> -> memref<1x16x1024xf32, #tpu.memory_space<vmem>>
    %dma_start3A_322 = tpu.memref_squeeze %dma_start3A_321 : memref<1x16x1024xf32, #tpu.memory_space<vmem>> -> memref<16x1024xf32, #tpu.memory_space<vmem>>
    tpu.enqueue_dma source(%dma_start3A_322 : memref<16x1024xf32, #tpu.memory_space<vmem>>) target(%dma_start3A_318 : memref<16x1024xf32, #tpu.memory_space<hbm>>) target_semaphore(%arg18 : memref<!tpu.dma_semaphore, #tpu.memory_space<semaphore_mem>>)
    %dma_wait3A_323 = arith.constant 0 : i32
    %dma_wait3A_324 = arith.constant 0 : i32
    %dma_wait3A_325 = arith.constant 0 : i32
    %dma_wait3A_326 = tpu.memref_slice %arg6[%dma_wait3A_323, %dma_wait3A_324, %dma_wait3A_325] : memref<6x16x1024xf32, #tpu.memory_space<vmem>> -> memref<1x16x1024xf32, #tpu.memory_space<vmem>>
    %dma_wait3A_327 = tpu.memref_squeeze %dma_wait3A_326 : memref<1x16x1024xf32, #tpu.memory_space<vmem>> -> memref<16x1024xf32, #tpu.memory_space<vmem>>
    %dma_wait3A_328 = arith.constant 0 : i32
    %dma_wait3A_329 = arith.constant 0 : i32
    %dma_wait3A_330 = tpu.memref_slice %arg2[%dma_wait3A_328, %dma_wait3A_329] : memref<100000x1024xf32, #tpu.memory_space<hbm>> -> memref<16x1024xf32, #tpu.memory_space<hbm>>
    %dma_wait3A_331 = arith.constant 0 : i32
    %dma_wait3A_332 = arith.constant 0 : i32
    %dma_wait3A_333 = tpu.memref_slice %arg6[%dma_wait3A_323, %dma_wait3A_331, %dma_wait3A_332] : memref<6x16x1024xf32, #tpu.memory_space<vmem>> -> memref<1x16x1024xf32, #tpu.memory_space<vmem>>
    %dma_wait3A_334 = tpu.memref_squeeze %dma_wait3A_333 : memref<1x16x1024xf32, #tpu.memory_space<vmem>> -> memref<16x1024xf32, #tpu.memory_space<vmem>>
    %dma_wait3A_335 = arith.constant 0 : i32
    %dma_wait3A_336 = arith.constant 0 : i32
    %dma_wait3A_337 = tpu.memref_slice %arg2[%dma_wait3A_335, %dma_wait3A_336] : memref<100000x1024xf32, #tpu.memory_space<hbm>> -> memref<16x1024xf32, #tpu.memory_space<hbm>>
    tpu.wait_dma2 semaphore(%arg7 : memref<!tpu.dma_semaphore, #tpu.memory_space<semaphore_mem>>) src(%dma_wait3A_337 : memref<16x1024xf32, #tpu.memory_space<hbm>>) dst(%dma_wait3A_334 : memref<16x1024xf32, #tpu.memory_space<vmem>>)
    %add3A_338 = arith.constant 480 : i32
    %add3A_339 = arith.addi %mul3A_2, %add3A_338 : i32
    %dma_start3A_340 = arith.constant 0 : i32
    %dma_start3A_341 = arith.constant 0 : i32
    %dma_start3A_342 = arith.constant 0 : i32
    %dma_start3A_343 = tpu.memref_slice %arg6[%dma_start3A_340, %dma_start3A_341, %dma_start3A_342] : memref<6x16x1024xf32, #tpu.memory_space<vmem>> -> memref<1x16x1024xf32, #tpu.memory_space<vmem>>
    %dma_start3A_344 = tpu.memref_squeeze %dma_start3A_343 : memref<1x16x1024xf32, #tpu.memory_space<vmem>> -> memref<16x1024xf32, #tpu.memory_space<vmem>>
    %dma_start3A_345 = arith.constant 0 : i32
    %dma_start3A_346 = tpu.memref_slice %arg4[%add3A_339, %dma_start3A_345] : memref<16384x1024xf32, #tpu.memory_space<hbm>> -> memref<16x1024xf32, #tpu.memory_space<hbm>>
    %dma_start3A_347 = arith.constant 0 : i32
    %dma_start3A_348 = tpu.memref_slice %arg4[%add3A_339, %dma_start3A_347] : memref<16384x1024xf32, #tpu.memory_space<hbm>> -> memref<16x1024xf32, #tpu.memory_space<hbm>>
    %dma_start3A_349 = arith.constant 0 : i32
    %dma_start3A_350 = arith.constant 0 : i32
    %dma_start3A_351 = tpu.memref_slice %arg6[%dma_start3A_340, %dma_start3A_349, %dma_start3A_350] : memref<6x16x1024xf32, #tpu.memory_space<vmem>> -> memref<1x16x1024xf32, #tpu.memory_space<vmem>>
    %dma_start3A_352 = tpu.memref_squeeze %dma_start3A_351 : memref<1x16x1024xf32, #tpu.memory_space<vmem>> -> memref<16x1024xf32, #tpu.memory_space<vmem>>
    tpu.enqueue_dma source(%dma_start3A_352 : memref<16x1024xf32, #tpu.memory_space<vmem>>) target(%dma_start3A_348 : memref<16x1024xf32, #tpu.memory_space<hbm>>) target_semaphore(%arg13 : memref<!tpu.dma_semaphore, #tpu.memory_space<semaphore_mem>>)
    %dma_wait3A_353 = arith.constant 1 : i32
    %dma_wait3A_354 = arith.constant 0 : i32
    %dma_wait3A_355 = arith.constant 0 : i32
    %dma_wait3A_356 = tpu.memref_slice %arg6[%dma_wait3A_353, %dma_wait3A_354, %dma_wait3A_355] : memref<6x16x1024xf32, #tpu.memory_space<vmem>> -> memref<1x16x1024xf32, #tpu.memory_space<vmem>>
    %dma_wait3A_357 = tpu.memref_squeeze %dma_wait3A_356 : memref<1x16x1024xf32, #tpu.memory_space<vmem>> -> memref<16x1024xf32, #tpu.memory_space<vmem>>
    %dma_wait3A_358 = arith.constant 0 : i32
    %dma_wait3A_359 = arith.constant 0 : i32
    %dma_wait3A_360 = tpu.memref_slice %arg2[%dma_wait3A_358, %dma_wait3A_359] : memref<100000x1024xf32, #tpu.memory_space<hbm>> -> memref<16x1024xf32, #tpu.memory_space<hbm>>
    %dma_wait3A_361 = arith.constant 0 : i32
    %dma_wait3A_362 = arith.constant 0 : i32
    %dma_wait3A_363 = tpu.memref_slice %arg6[%dma_wait3A_353, %dma_wait3A_361, %dma_wait3A_362] : memref<6x16x1024xf32, #tpu.memory_space<vmem>> -> memref<1x16x1024xf32, #tpu.memory_space<vmem>>
    %dma_wait3A_364 = tpu.memref_squeeze %dma_wait3A_363 : memref<1x16x1024xf32, #tpu.memory_space<vmem>> -> memref<16x1024xf32, #tpu.memory_space<vmem>>
    %dma_wait3A_365 = arith.constant 0 : i32
    %dma_wait3A_366 = arith.constant 0 : i32
    %dma_wait3A_367 = tpu.memref_slice %arg2[%dma_wait3A_365, %dma_wait3A_366] : memref<100000x1024xf32, #tpu.memory_space<hbm>> -> memref<16x1024xf32, #tpu.memory_space<hbm>>
    tpu.wait_dma2 semaphore(%arg8 : memref<!tpu.dma_semaphore, #tpu.memory_space<semaphore_mem>>) src(%dma_wait3A_367 : memref<16x1024xf32, #tpu.memory_space<hbm>>) dst(%dma_wait3A_364 : memref<16x1024xf32, #tpu.memory_space<vmem>>)
    %add3A_368 = arith.constant 496 : i32
    %add3A_369 = arith.addi %mul3A_2, %add3A_368 : i32
    %dma_start3A_370 = arith.constant 1 : i32
    %dma_start3A_371 = arith.constant 0 : i32
    %dma_start3A_372 = arith.constant 0 : i32
    %dma_start3A_373 = tpu.memref_slice %arg6[%dma_start3A_370, %dma_start3A_371, %dma_start3A_372] : memref<6x16x1024xf32, #tpu.memory_space<vmem>> -> memref<1x16x1024xf32, #tpu.memory_space<vmem>>
    %dma_start3A_374 = tpu.memref_squeeze %dma_start3A_373 : memref<1x16x1024xf32, #tpu.memory_space<vmem>> -> memref<16x1024xf32, #tpu.memory_space<vmem>>
    %dma_start3A_375 = arith.constant 0 : i32
    %dma_start3A_376 = tpu.memref_slice %arg4[%add3A_369, %dma_start3A_375] : memref<16384x1024xf32, #tpu.memory_space<hbm>> -> memref<16x1024xf32, #tpu.memory_space<hbm>>
    %dma_start3A_377 = arith.constant 0 : i32
    %dma_start3A_378 = tpu.memref_slice %arg4[%add3A_369, %dma_start3A_377] : memref<16384x1024xf32, #tpu.memory_space<hbm>> -> memref<16x1024xf32, #tpu.memory_space<hbm>>
    %dma_start3A_379 = arith.constant 0 : i32
    %dma_start3A_380 = arith.constant 0 : i32
    %dma_start3A_381 = tpu.memref_slice %arg6[%dma_start3A_370, %dma_start3A_379, %dma_start3A_380] : memref<6x16x1024xf32, #tpu.memory_space<vmem>> -> memref<1x16x1024xf32, #tpu.memory_space<vmem>>
    %dma_start3A_382 = tpu.memref_squeeze %dma_start3A_381 : memref<1x16x1024xf32, #tpu.memory_space<vmem>> -> memref<16x1024xf32, #tpu.memory_space<vmem>>
    tpu.enqueue_dma source(%dma_start3A_382 : memref<16x1024xf32, #tpu.memory_space<vmem>>) target(%dma_start3A_378 : memref<16x1024xf32, #tpu.memory_space<hbm>>) target_semaphore(%arg14 : memref<!tpu.dma_semaphore, #tpu.memory_space<semaphore_mem>>)
    %dma_wait3A_383 = arith.constant 2 : i32
    %dma_wait3A_384 = arith.constant 0 : i32
    %dma_wait3A_385 = arith.constant 0 : i32
    %dma_wait3A_386 = tpu.memref_slice %arg6[%dma_wait3A_383, %dma_wait3A_384, %dma_wait3A_385] : memref<6x16x1024xf32, #tpu.memory_space<vmem>> -> memref<1x16x1024xf32, #tpu.memory_space<vmem>>
    %dma_wait3A_387 = tpu.memref_squeeze %dma_wait3A_386 : memref<1x16x1024xf32, #tpu.memory_space<vmem>> -> memref<16x1024xf32, #tpu.memory_space<vmem>>
    %dma_wait3A_388 = arith.constant 0 : i32
    %dma_wait3A_389 = tpu.memref_slice %arg4[%mul3A_2, %dma_wait3A_388] : memref<16384x1024xf32, #tpu.memory_space<hbm>> -> memref<16x1024xf32, #tpu.memory_space<hbm>>
    %dma_wait3A_390 = arith.constant 0 : i32
    %dma_wait3A_391 = tpu.memref_slice %arg4[%mul3A_2, %dma_wait3A_390] : memref<16384x1024xf32, #tpu.memory_space<hbm>> -> memref<16x1024xf32, #tpu.memory_space<hbm>>
    %dma_wait3A_392 = arith.constant 0 : i32
    %dma_wait3A_393 = arith.constant 0 : i32
    %dma_wait3A_394 = tpu.memref_slice %arg6[%dma_wait3A_383, %dma_wait3A_392, %dma_wait3A_393] : memref<6x16x1024xf32, #tpu.memory_space<vmem>> -> memref<1x16x1024xf32, #tpu.memory_space<vmem>>
    %dma_wait3A_395 = tpu.memref_squeeze %dma_wait3A_394 : memref<1x16x1024xf32, #tpu.memory_space<vmem>> -> memref<16x1024xf32, #tpu.memory_space<vmem>>
    tpu.wait_dma2 semaphore(%arg15 : memref<!tpu.dma_semaphore, #tpu.memory_space<semaphore_mem>>) src(%dma_wait3A_395 : memref<16x1024xf32, #tpu.memory_space<vmem>>) dst(%dma_wait3A_391 : memref<16x1024xf32, #tpu.memory_space<hbm>>)
    %dma_wait3A_396 = arith.constant 3 : i32
    %dma_wait3A_397 = arith.constant 0 : i32
    %dma_wait3A_398 = arith.constant 0 : i32
    %dma_wait3A_399 = tpu.memref_slice %arg6[%dma_wait3A_396, %dma_wait3A_397, %dma_wait3A_398] : memref<6x16x1024xf32, #tpu.memory_space<vmem>> -> memref<1x16x1024xf32, #tpu.memory_space<vmem>>
    %dma_wait3A_400 = tpu.memref_squeeze %dma_wait3A_399 : memref<1x16x1024xf32, #tpu.memory_space<vmem>> -> memref<16x1024xf32, #tpu.memory_space<vmem>>
    %dma_wait3A_401 = arith.constant 0 : i32
    %dma_wait3A_402 = tpu.memref_slice %arg4[%mul3A_2, %dma_wait3A_401] : memref<16384x1024xf32, #tpu.memory_space<hbm>> -> memref<16x1024xf32, #tpu.memory_space<hbm>>
    %dma_wait3A_403 = arith.constant 0 : i32
    %dma_wait3A_404 = tpu.memref_slice %arg4[%mul3A_2, %dma_wait3A_403] : memref<16384x1024xf32, #tpu.memory_space<hbm>> -> memref<16x1024xf32, #tpu.memory_space<hbm>>
    %dma_wait3A_405 = arith.constant 0 : i32
    %dma_wait3A_406 = arith.constant 0 : i32
    %dma_wait3A_407 = tpu.memref_slice %arg6[%dma_wait3A_396, %dma_wait3A_405, %dma_wait3A_406] : memref<6x16x1024xf32, #tpu.memory_space<vmem>> -> memref<1x16x1024xf32, #tpu.memory_space<vmem>>
    %dma_wait3A_408 = tpu.memref_squeeze %dma_wait3A_407 : memref<1x16x1024xf32, #tpu.memory_space<vmem>> -> memref<16x1024xf32, #tpu.memory_space<vmem>>
    tpu.wait_dma2 semaphore(%arg16 : memref<!tpu.dma_semaphore, #tpu.memory_space<semaphore_mem>>) src(%dma_wait3A_408 : memref<16x1024xf32, #tpu.memory_space<vmem>>) dst(%dma_wait3A_404 : memref<16x1024xf32, #tpu.memory_space<hbm>>)
    %dma_wait3A_409 = arith.constant 4 : i32
    %dma_wait3A_410 = arith.constant 0 : i32
    %dma_wait3A_411 = arith.constant 0 : i32
    %dma_wait3A_412 = tpu.memref_slice %arg6[%dma_wait3A_409, %dma_wait3A_410, %dma_wait3A_411] : memref<6x16x1024xf32, #tpu.memory_space<vmem>> -> memref<1x16x1024xf32, #tpu.memory_space<vmem>>
    %dma_wait3A_413 = tpu.memref_squeeze %dma_wait3A_412 : memref<1x16x1024xf32, #tpu.memory_space<vmem>> -> memref<16x1024xf32, #tpu.memory_space<vmem>>
    %dma_wait3A_414 = arith.constant 0 : i32
    %dma_wait3A_415 = tpu.memref_slice %arg4[%mul3A_2, %dma_wait3A_414] : memref<16384x1024xf32, #tpu.memory_space<hbm>> -> memref<16x1024xf32, #tpu.memory_space<hbm>>
    %dma_wait3A_416 = arith.constant 0 : i32
    %dma_wait3A_417 = tpu.memref_slice %arg4[%mul3A_2, %dma_wait3A_416] : memref<16384x1024xf32, #tpu.memory_space<hbm>> -> memref<16x1024xf32, #tpu.memory_space<hbm>>
    %dma_wait3A_418 = arith.constant 0 : i32
    %dma_wait3A_419 = arith.constant 0 : i32
    %dma_wait3A_420 = tpu.memref_slice %arg6[%dma_wait3A_409, %dma_wait3A_418, %dma_wait3A_419] : memref<6x16x1024xf32, #tpu.memory_space<vmem>> -> memref<1x16x1024xf32, #tpu.memory_space<vmem>>
    %dma_wait3A_421 = tpu.memref_squeeze %dma_wait3A_420 : memref<1x16x1024xf32, #tpu.memory_space<vmem>> -> memref<16x1024xf32, #tpu.memory_space<vmem>>
    tpu.wait_dma2 semaphore(%arg17 : memref<!tpu.dma_semaphore, #tpu.memory_space<semaphore_mem>>) src(%dma_wait3A_421 : memref<16x1024xf32, #tpu.memory_space<vmem>>) dst(%dma_wait3A_417 : memref<16x1024xf32, #tpu.memory_space<hbm>>)
    %dma_wait3A_422 = arith.constant 5 : i32
    %dma_wait3A_423 = arith.constant 0 : i32
    %dma_wait3A_424 = arith.constant 0 : i32
    %dma_wait3A_425 = tpu.memref_slice %arg6[%dma_wait3A_422, %dma_wait3A_423, %dma_wait3A_424] : memref<6x16x1024xf32, #tpu.memory_space<vmem>> -> memref<1x16x1024xf32, #tpu.memory_space<vmem>>
    %dma_wait3A_426 = tpu.memref_squeeze %dma_wait3A_425 : memref<1x16x1024xf32, #tpu.memory_space<vmem>> -> memref<16x1024xf32, #tpu.memory_space<vmem>>
    %dma_wait3A_427 = arith.constant 0 : i32
    %dma_wait3A_428 = tpu.memref_slice %arg4[%mul3A_2, %dma_wait3A_427] : memref<16384x1024xf32, #tpu.memory_space<hbm>> -> memref<16x1024xf32, #tpu.memory_space<hbm>>
    %dma_wait3A_429 = arith.constant 0 : i32
    %dma_wait3A_430 = tpu.memref_slice %arg4[%mul3A_2, %dma_wait3A_429] : memref<16384x1024xf32, #tpu.memory_space<hbm>> -> memref<16x1024xf32, #tpu.memory_space<hbm>>
    %dma_wait3A_431 = arith.constant 0 : i32
    %dma_wait3A_432 = arith.constant 0 : i32
    %dma_wait3A_433 = tpu.memref_slice %arg6[%dma_wait3A_422, %dma_wait3A_431, %dma_wait3A_432] : memref<6x16x1024xf32, #tpu.memory_space<vmem>> -> memref<1x16x1024xf32, #tpu.memory_space<vmem>>
    %dma_wait3A_434 = tpu.memref_squeeze %dma_wait3A_433 : memref<1x16x1024xf32, #tpu.memory_space<vmem>> -> memref<16x1024xf32, #tpu.memory_space<vmem>>
    tpu.wait_dma2 semaphore(%arg18 : memref<!tpu.dma_semaphore, #tpu.memory_space<semaphore_mem>>) src(%dma_wait3A_434 : memref<16x1024xf32, #tpu.memory_space<vmem>>) dst(%dma_wait3A_430 : memref<16x1024xf32, #tpu.memory_space<hbm>>)
    %dma_wait3A_435 = arith.constant 0 : i32
    %dma_wait3A_436 = arith.constant 0 : i32
    %dma_wait3A_437 = arith.constant 0 : i32
    %dma_wait3A_438 = tpu.memref_slice %arg6[%dma_wait3A_435, %dma_wait3A_436, %dma_wait3A_437] : memref<6x16x1024xf32, #tpu.memory_space<vmem>> -> memref<1x16x1024xf32, #tpu.memory_space<vmem>>
    %dma_wait3A_439 = tpu.memref_squeeze %dma_wait3A_438 : memref<1x16x1024xf32, #tpu.memory_space<vmem>> -> memref<16x1024xf32, #tpu.memory_space<vmem>>
    %dma_wait3A_440 = arith.constant 0 : i32
    %dma_wait3A_441 = tpu.memref_slice %arg4[%mul3A_2, %dma_wait3A_440] : memref<16384x1024xf32, #tpu.memory_space<hbm>> -> memref<16x1024xf32, #tpu.memory_space<hbm>>
    %dma_wait3A_442 = arith.constant 0 : i32
    %dma_wait3A_443 = tpu.memref_slice %arg4[%mul3A_2, %dma_wait3A_442] : memref<16384x1024xf32, #tpu.memory_space<hbm>> -> memref<16x1024xf32, #tpu.memory_space<hbm>>
    %dma_wait3A_444 = arith.constant 0 : i32
    %dma_wait3A_445 = arith.constant 0 : i32
    %dma_wait3A_446 = tpu.memref_slice %arg6[%dma_wait3A_435, %dma_wait3A_444, %dma_wait3A_445] : memref<6x16x1024xf32, #tpu.memory_space<vmem>> -> memref<1x16x1024xf32, #tpu.memory_space<vmem>>
    %dma_wait3A_447 = tpu.memref_squeeze %dma_wait3A_446 : memref<1x16x1024xf32, #tpu.memory_space<vmem>> -> memref<16x1024xf32, #tpu.memory_space<vmem>>
    tpu.wait_dma2 semaphore(%arg13 : memref<!tpu.dma_semaphore, #tpu.memory_space<semaphore_mem>>) src(%dma_wait3A_447 : memref<16x1024xf32, #tpu.memory_space<vmem>>) dst(%dma_wait3A_443 : memref<16x1024xf32, #tpu.memory_space<hbm>>)
    %dma_wait3A_448 = arith.constant 1 : i32
    %dma_wait3A_449 = arith.constant 0 : i32
    %dma_wait3A_450 = arith.constant 0 : i32
    %dma_wait3A_451 = tpu.memref_slice %arg6[%dma_wait3A_448, %dma_wait3A_449, %dma_wait3A_450] : memref<6x16x1024xf32, #tpu.memory_space<vmem>> -> memref<1x16x1024xf32, #tpu.memory_space<vmem>>
    %dma_wait3A_452 = tpu.memref_squeeze %dma_wait3A_451 : memref<1x16x1024xf32, #tpu.memory_space<vmem>> -> memref<16x1024xf32, #tpu.memory_space<vmem>>
    %dma_wait3A_453 = arith.constant 0 : i32
    %dma_wait3A_454 = tpu.memref_slice %arg4[%mul3A_2, %dma_wait3A_453] : memref<16384x1024xf32, #tpu.memory_space<hbm>> -> memref<16x1024xf32, #tpu.memory_space<hbm>>
    %dma_wait3A_455 = arith.constant 0 : i32
    %dma_wait3A_456 = tpu.memref_slice %arg4[%mul3A_2, %dma_wait3A_455] : memref<16384x1024xf32, #tpu.memory_space<hbm>> -> memref<16x1024xf32, #tpu.memory_space<hbm>>
    %dma_wait3A_457 = arith.constant 0 : i32
    %dma_wait3A_458 = arith.constant 0 : i32
    %dma_wait3A_459 = tpu.memref_slice %arg6[%dma_wait3A_448, %dma_wait3A_457, %dma_wait3A_458] : memref<6x16x1024xf32, #tpu.memory_space<vmem>> -> memref<1x16x1024xf32, #tpu.memory_space<vmem>>
    %dma_wait3A_460 = tpu.memref_squeeze %dma_wait3A_459 : memref<1x16x1024xf32, #tpu.memory_space<vmem>> -> memref<16x1024xf32, #tpu.memory_space<vmem>>
    tpu.wait_dma2 semaphore(%arg14 : memref<!tpu.dma_semaphore, #tpu.memory_space<semaphore_mem>>) src(%dma_wait3A_460 : memref<16x1024xf32, #tpu.memory_space<vmem>>) dst(%dma_wait3A_456 : memref<16x1024xf32, #tpu.memory_space<hbm>>)
    return
  }
}

</mosaic_0001>

<sc_bundles>
// kernel: kernel.3.cloned.1.call-start
scs
__scs_entry_jumppad:
0x0: {  	(pc) =	sbr.rel $0x88, $3  }
0x1: {  	(tag) =	ssettag $0x0;
	lr =	simm.s32 $0x1  }
0x2: {  	[smem:$0x3F9F] =	sst lr;
	_ =	strace $0xD0000000  }
0x3: {  	_ = 	snop  }
0x4: {  	_ = 	snop  }
0x5: {  	_ = 	snop  }
0x6: {  	_ = 	snop  }
0x7: {  	_ = 	snop  }
__scs_overlays_trampoline_lowered:
0x8: {  	[smem:$0x3FAE] =	sst s0  }
0x9: {  	[smem:$0x3FAF] =	sst s1  }
0xa: {  	[smem:$0x3FB0] =	sst s2  }
0xb: {  	[smem:$0x3FB1] =	sst s3  }
0xc: {  	[smem:$0x3FB2] =	sst s4  }
0xd: {  	[smem:$0x3FB3] =	sst s5  }
0xe: {  	[smem:$0x3FB4] =	sst s6  }
0xf: {  	[smem:$0x3FB5] =	sst s7  }
0x10: {  	[smem:$0x3FB6] =	sst s8  }
0x11: {  	[smem:$0x3FB7] =	sst s9;
	s0 =	simm.s32 @!p0 $0x0  }
0x12: {  	s1 =	sld [smem:$0x3F9D];
	s0 =	simm.s32 @p0 $0x1  }
0x13: {  	[smem:$0x3FB8] =	sst s0;
	s0 =	simm.s32 @!p1 $0x0  }
0x14: {  	s2 =	sld [smem:$0x3F9C];
	s0 =	simm.s32 @p1 $0x1  }
0x15: {  	[smem:$0x3FB9] =	sst s0;
	s0 =	simm.s32 @!p2 $0x0  }
0x16: {  	s3 =	sld [smem:$0x3FDB];
	s0 =	simm.s32 @p2 $0x1  }
0x17: {  	s4 =	simm.s32 $0x1BF5;
	[smem:$0x3FBB] =	sst s0  }
0x18: {  	s0 =	sld [smem:$0x3F9E];
	_ =	swait.ge [sflag:s4], $0x0  }
0x19: {  	s7 =	sld [smem:$0x3F9F]  }
0x1a: {  	s8 =	sadd.s32 $0xFFFFE003, lr  }
0x1b: {  	s9 =	sadd.s32 $0xFFFFFEF7, lr;
	s5 =	simm.s32 $0xFFFFFFFF;
	p2 =	slt.u32 s8, $0xFFFFF086  }
0x1c: {  	p1 =	slt.u32 s9, $0xF7A;
	s5 =	simm.s32 @!p2 $0x0  }
0x1d: {  	s5 =	simm.s32 @p1 $0x1;
	p0 =	seq.s32 s7, s2  }
0x1e: {  	s7 =	smul.u32 @!p0 $0xF7A, s2;
	p2 =	seq.s32 @!p0 s5, $0x0  }
0x1f: {  	s9 =	smul.u32 $0xF7A, s1;
	s8 =	simm.s32 @!p0 $0x1BF5;
	p2 =	por !p2, p0  }
0x20: {  	[sflag:s8] =	ssyncset.s32 @!p0 $0xFFFFF086;
	s6 =	sadd.s32 @!p0 s3, s7;
	s7 =	simm.s32 @!p0 $0x108  }
0x21: {  	s3 =	sadd.s32 s3, s9;
	s6 =	sadd.s32 @!p0 $0x88, s6;
	s7 =	simm.s32 @p2 $0x1082  }
0x22: {  	[simem:s7], [sflag:s8] =	dma.local @!p0 [hbm:s6], $0xF7A  }
0x23: {  	s9 =	sor.u32 $0xD0000000, s2;
	s6 =	simm.s32 $0x108;
	_ =	swait.ge @!p0 [sflag:s8], $0x0  }
0x24: {  	s3 =	sadd.s32 $0x88, s3;
	s6 =	simm.s32 @!p1 $0x1082;
	[sflag:s4] =	ssyncset.s32 $0xFFFFF086  }
0x25: {  	[simem:s6], [sflag:s4] =	dma.local [hbm:s3], $0xF7A  }
0x26: {  	[smem:$0x3F9F] =	sst s1;
	(tag) =	ssettag s2;
	_ =	strace s9  }
0x27: {  	s1 =	sld [smem:$0x3FAF]  }
0x28: {  	s2 =	sld [smem:$0x3FB0]  }
0x29: {  	s4 =	sld [smem:$0x3FB2]  }
0x2a: {  	p0 =	seq.s32 s5, $0x0;
	s5 =	sld [smem:$0x3FB3]  }
0x2b: {  	s6 =	sld [smem:$0x3FB4]  }
0x2c: {  	s7 =	sld [smem:$0x3FB5]  }
0x2d: {  	s3 =	simm.s32 $0x108;
	s8 =	sld [smem:$0x3FB6]  }
0x2e: {  	s3 =	simm.s32 @!p0 $0x1082;
	s9 =	sld [smem:$0x3FB7]  }
0x2f: {  	lr =	sadd.s32 s0, s3;
	s0 =	sld [smem:$0x3FAE]  }
0x30: {  	s3 =	sld [smem:$0x3FB1]  }
0x31: {  	[smem:$0x3FBA] =	sst s10  }
0x32: {  	s10 =	sld [smem:$0x3FB8];
	_ =	sdelay $0x3  }
0x33: {  	p0 =	seq.s32 s10, $0x1;
	s10 =	sld [smem:$0x3FBA];
	_ =	sdelay $0x3  }
0x34: {  	[smem:$0x3FBA] =	sst s10  }
0x35: {  	s10 =	sld [smem:$0x3FB9];
	_ =	sdelay $0x3  }
0x36: {  	p1 =	seq.s32 s10, $0x1;
	s10 =	sld [smem:$0x3FBA];
	_ =	sdelay $0x3  }
0x37: {  	[smem:$0x3FBA] =	sst s10  }
0x38: {  	s10 =	sld [smem:$0x3FBB]  }
0x39: {  	_ = 	snop;
	(pc) =	sbr.ind lr, $3  }
0x3a: {  	_ = 	snop  }
0x3b: {  	_ = 	snop  }
0x3c: {  	p2 =	seq.s32 s10, $0x1;
	s10 =	sld [smem:$0x3FBA]  }
0x3d: {  	_ =	shalt  }
0x3e: {  	_ =	shalt  }
0x3f: {  	_ =	shalt  }
0x40: {  	_ =	shalt  }
0x41: {  	_ =	shalt  }
0x42: {  	_ =	shalt  }
0x43: {  	_ =	shalt  }
0x44: {  	_ =	shalt  }
0x45: {  	_ =	shalt  }
0x46: {  	_ =	shalt  }
0x47: {  	_ =	shalt  }
0x48: {  	_ =	shalt  }
0x49: {  	_ =	shalt  }
0x4a: {  	_ =	shalt  }
0x4b: {  	_ =	shalt  }
0x4c: {  	_ =	shalt  }
0x4d: {  	_ =	shalt  }
0x4e: {  	_ =	shalt  }
0x4f: {  	_ =	shalt  }
0x50: {  	_ =	shalt  }
0x51: {  	_ =	shalt  }
0x52: {  	_ =	shalt  }
0x53: {  	_ =	shalt  }
0x54: {  	_ =	shalt  }
0x55: {  	_ =	shalt  }
0x56: {  	_ =	shalt  }
0x57: {  	_ =	shalt  }
0x58: {  	_ =	shalt  }
0x59: {  	_ =	shalt  }
0x5a: {  	_ =	shalt  }
0x5b: {  	_ =	shalt  }
0x5c: {  	_ =	shalt  }
0x5d: {  	_ =	shalt  }
0x5e: {  	_ =	shalt  }
0x5f: {  	_ =	shalt  }
0x60: {  	_ =	shalt  }
0x61: {  	_ =	shalt  }
0x62: {  	_ =	shalt  }
0x63: {  	_ =	shalt  }
0x64: {  	_ =	shalt  }
0x65: {  	_ =	shalt  }
0x66: {  	_ =	shalt  }
0x67: {  	_ =	shalt  }
0x68: {  	_ =	shalt  }
0x69: {  	_ =	shalt  }
0x6a: {  	_ =	shalt  }
0x6b: {  	_ =	shalt  }
0x6c: {  	_ =	shalt  }
0x6d: {  	_ =	shalt  }
0x6e: {  	_ =	shalt  }
0x6f: {  	_ =	shalt  }
0x70: {  	_ =	shalt  }
0x71: {  	_ =	shalt  }
0x72: {  	_ =	shalt  }
0x73: {  	_ =	shalt  }
0x74: {  	_ =	shalt  }
0x75: {  	_ =	shalt  }
0x76: {  	_ =	shalt  }
0x77: {  	_ =	shalt  }
0x78: {  	_ =	shalt  }
0x79: {  	_ =	shalt  }
0x7a: {  	_ =	shalt  }
0x7b: {  	_ =	shalt  }
0x7c: {  	_ =	shalt  }
0x7d: {  	_ =	shalt  }
0x7e: {  	_ =	shalt  }
0x7f: {  	_ =	shalt  }
0x80: {  	_ =	shalt  }
0x81: {  	_ =	shalt  }
0x82: {  	_ =	shalt  }
0x83: {  	_ =	shalt  }
0x84: {  	_ =	shalt  }
0x85: {  	_ =	shalt  }
0x86: {  	_ =	shalt  }
0x87: {  	_ =	shalt  }
.Lfunc_end0:
.L_simem_size_0:
called_computation_lowered:
.L_overlay_start_0:
0x88: {  	s2 =	sld [smem:$0x3FD9]  }
0x89: {  	s3 =	sld [smem:$0x3FFE];
	_ =	sdelay $0x1  }
0x8a: {  	s1 =	srdreg.scid  }
0x8b: {  	s0 =	sand.u32 $0x1, s1  }
0x8c: {  	s18 =	sshll.u32 s0, $0xA;
	s2 =	sadd.s32 s3, s2  }
0x8d: {  	s2 =	sadd.s32 s2, s18  }
0x8e: {  	[smem:$0x3FC6] =	sst s2  }
0x8f: {  	_ = 	snop  }
0x90: {  	s2 =	sld [smem:$0x3FC9]  }
0x91: {  	s19 =	sld [smem:$0x3FC8]  }
0x92: {  	s4 =	sld [smem:$0x3FD0];
	(tm) =	ssettm $0x1  }
0x93: {  	s5 =	sld [smem:$0x3FFB];
	_ =	sdelay $0x3  }
0x94: {  	_ =	strace s5  }
0x95: {  	s5 =	sld [smem:$0x3FFC];
	_ =	sdelay $0x3  }
0x96: {  	_ =	strace s5  }
0x97: {  	s5 =	sld [smem:$0x3FFD];
	_ =	sdelay $0x3  }
0x98: {  	_ =	strace s5  }
0x99: {  	_ =	strace $0x8FFFFFFF  }
0x9a: {  	s20 =	sld [smem:$0x3FDB];
	_ =	sdelay $0x1  }
0x9b: {  	s6 =	simm.s32 $_scs_section_size  }
0x9c: {  	s7 =	simm.s32 $_size__tile_overlayer_lowered;
	s8 =	simm.s32 $_tile_overlayer_lowered  }
0x9d: {  	s23 =	simm.s32 $0x1BFF;
	s22 =	sshll.u32 s8, $0x1;
	s5 =	sadd.s32 s6, s20  }
0x9e: {  	s9 =	simm.s32 $0x0;
	s21 =	sshll.u32 s7, $0x1;
	s7 =	sadd.s32 s22, s5  }
0x9f: {  	[timem:s9], [sflag:s23] =	dma.local [hbm:s7], s21  }
0xa0: {  	_ =	swait.ge [sflag:s23], s21  }
0xa1: {  	s6 =	ssub.s32 $0x0, s21;
	[sflag:s23] =	ssyncset.done $0x0  }
0xa2: {  	[sflag:s23] =	ssyncadd.s32 s6;
	_ =	sdelay $0x1  }
0xa3: {  	s24 =	simm.s32 $0x1B8B  }
0xa4: {  	_ =	swait.ge [sflag:s24], $0x1  }
0xa5: {  	[sflag:s24] =	ssyncset.done $0x0  }
0xa6: {  	s25 =	simm.s32 $0x1B8E;
	[sflag:s24] =	ssyncadd.s32 $0xFFFFFFFF  }
0xa7: {  	s26 =	simm.s32 $execute0_lowered;
	[smem:$0x3FD2] =	sst s25  }
0xa8: {  	s6 =	sshll.u32 s26, $0x1;
	_ =	strace $0x80000046;
	[dreg:$0x1] =	wrdreg $0xFFFFFFFF  }
0xa9: {  	s28 =	simm.s32 $_size_execute0_lowered;
	s5 =	sadd.s32 s5, s6;
	[dreg:$0x0] =	wrdreg $0x0  }
0xaa: {  	s6 =	sshll.u32 s28, $0x1;
	[dreg:$0x2] =	wrdreg s5  }
0xab: {  	[dreg:$0x3] =	wrdreg s6  }
0xac: {  	[dreg:$0x4] =	wrdreg $0xC0  }
0xad: {  	_ =	task [dreg:s9], $0x5FFFF  }
0xae: {  	[dreg:$0x1] =	wrdreg $0xFFFFFFFF  }
0xaf: {  	[dreg:$0x0] =	wrdreg $0x60  }
0xb0: {  	[dreg:$0x2] =	wrdreg s19  }
0xb1: {  	[dreg:$0x3] =	wrdreg s2  }
0xb2: {  	[dreg:$0x4] =	wrdreg s4  }
0xb3: {  	[dreg:$0x5] =	wrdreg $0x9  }
0xb4: {  	_ =	task.clear_ibuf [dreg:s9], $0x6FFFF;
	_ =	strace $0x90000046  }
0xb5: {  	s29 =	simm.s32 $0x9;
	_ =	strace $0x80000048  }
0xb6: {  	_ =	swait.ge [sflag:s29], $0x1  }
0xb7: {  	[sflag:s29] =	ssyncadd.s32 $0xFFFFFFFF  }
0xb8: {  	_ =	strace $0x90000048  }
0xb9: {  	_ =	sfence  }
0xba: {  	s30 =	sld [smem:$0x0];
	_ =	sdelay $0x2  }
0xbb: {  	s31 =	sshll.u32 s1, $0xD;
	s1 =	sshrl.u32 s1, $0x2  }
0xbc: {  	s3 =	sand.u32 $0x4000, s31;
	s1 =	sadd.s32 s1, s30  }
0xbd: {  	s0 =	sor.u32 s3, s0;
	s1 =	sshll.u32 s1, $0x11  }
0xbe: {  	s0 =	sor.u32 s1, s0  }
0xbf: {  	s0 =	sadd.s32 $0x8F2B, s0  }
0xc0: {  	[sflag:s0] =	ssyncadd.remote.s32 $0x1  }
0xc1: {  	_ =	sfence.sel $0xFFFF  }
0xc2: {  	[dreg:$0x0] =	wrdreg $0xFFFFFFFF;
	(pc) =	sbr.abs _section_cstart, $3  }
0xc3: {  	[dreg:$0x1] =	wrdreg $0xFFFFFFFF  }
0xc4: {  	_ =	task.clear_ibuf [dreg:s9], $0x2FFFF;
	_ =	strace $0x9FFFFFFF  }
0xc5: {  	(tm) =	ssettm $0x7FFFFFFF  }
tec
execute0_lowered:
.L_overlay_start_1:
0x0: {  	(tag) =	ssettag $0x1  }
0x1: {  	s1 =	rddreg [dreg:$0x0]  }
0x2: {  	s0 =	rddreg [dreg:$0x1]  }
0x3: {  	s2 =	rddreg [dreg:$0x2];
	s3 =	simm.s32 $0x0  }
0x4: {  	s4 =	srdreg.scid;
	s10 =	stileid.u32;
	s30 =	simm.s32 $0x8A00  }
0x5: {  	s17 =	simm.s32 $0xA200;
	s16 =	simm.s32 $0xB200;
	s28 =	simm.s32 $0xC200  }
0x6: {  	s15 =	simm.s32 $0xCA00;
	s11 =	simm.s32 $0x4;
	s12 =	simm.s32 $0x5  }
0x7: {  	s13 =	simm.s32 $0x6;
	s14 =	simm.s32 $0xC;
	s29 =	simm.s32 $0x0  }
0x8: {  	[smem:$0x7FF] =	sst s3;
	s4 =	sand.u32 $0x1, s4;
	s5 =	sshll.u32 s10, $0x1  }
0x9: {  	s6 =	sshll.u32 s10, $0x2;
	s23 =	sshll.u32 s10, $0x11;
	s10 =	simm.s32 $0x9  }
0xa: {  	_ =	strace $0x80000047;
	s5 =	sor.u32 s4, s5;
	s7 =	ssub.s32 $0x2, s4  }
0xb: {  	s6 =	sand.u32 $0x30, s6;
	s4 =	sshll.u32 s4, $0x10;
	s8 =	sshll.u32 s5, $0x8  }
0xc: {  	s9 =	sshrl.u32 s7, $0x1;
	s0 =	sadd.s32 s0, s6;
	s8 =	sand.u32 $0x700, s8  }
0xd: {  	s18 =	sshll.u32 s5, $0x10;
	s9 =	ssub.s32 s7, s9;
	s0 =	sadd.s32 s8, s0  }
0xe: {  	s31 =	smax.u32 s9, $0x1;
	[dreg:$0x5] =	wrdreg s0;
	s0 =	sadd.s32 s18, s2  }
0xf: {  	s5 =	sadd.s32 $0x100, s1;
	[dreg:$0xe] =	wrdreg s31;
	s19 =	sadd.s32 $0xC000, s0  }
0x10: {  	s6 =	sadd.s32 $0x200, s1;
	s20 =	sadd.s32 $0xC800, s0;
	[dreg:$0x6] =	wrdreg s19  }
0x11: {  	s7 =	sadd.s32 $0x300, s1;
	s21 =	sadd.s32 $0xD000, s0;
	[dreg:$0x7] =	wrdreg s20  }
0x12: {  	s8 =	simm.s32 $0xAA00;
	s22 =	sadd.s32 $0xD800, s0;
	[dreg:$0x8] =	wrdreg s21  }
0x13: {  	s9 =	simm.s32 $0x8;
	s24 =	sadd.s32 $0xE000, s0;
	[dreg:$0x9] =	wrdreg s22  }
0x14: {  	s2 =	sadd.s32 s23, s2;
	s25 =	sadd.s32 $0xE800, s0;
	[dreg:$0xa] =	wrdreg s24  }
0x15: {  	s18 =	simm.s32 $0x8200;
	s26 =	sadd.s32 $0xF000, s0;
	[dreg:$0xb] =	wrdreg s25  }
0x16: {  	s23 =	simm.s32 $0x3;
	s0 =	sadd.s32 $0xF800, s0;
	[dreg:$0xc] =	wrdreg s26  }
0x17: {  	s2 =	sadd.s32 s4, s2;
	s4 =	simm.s32 $0x7;
	[dreg:$0xd] =	wrdreg s0  }
0x18: {  	v2 =	vlaneseq.u32;
	[dreg:$0x4] =	wrdreg s2;
	s20 =	simm.s32 $0x9A00;
	s24 =	simm.s32 $0xBA00  }
0x19: {  	vm0 =	vmmov $0xffff;
	v1 =	vshrl.u32 v2, $0x3;
	s19 =	simm.s32 $0x10200;
	s2 =	simm.s32 $0x14200;
	s21 =	simm.s32 $0x1  }
0x1a: {  	v0 =	vand.u32 $0x7, v2;
	v2 =	vor.u32 $0x8, v2;
	v1 =	vmul.u32 $0x8, v1;
	s22 =	simm.s32 $0x2;
	s25 =	simm.s32 $0xA;
	s26 =	simm.s32 $0xB  }
.LBB2_1:
0x1b: {  	[dreg:$0xf] =	wrdreg s29  }
0x1c: {  	s0 =	rddreg [dreg:$0x5];
	s29 =	simm.s32 $0x80;
	s31 =	simm.s32 $0x200  }
0x1d: {  	[tilespmem:s3], [sflag:$0xD] =	stream.strided.gather [hbm4b:s0+s29], $0x200, s31, s29, $0x38;
	[tilespmem:$0x18200] =	vst v63  }
0x1e: {  	s0 =	simm.s32 $0xD  }
0x1f: {  	_ =	swait.ge [sflag:s0], $0x200  }
0x20: {  	[sflag:s0] =	ssyncset.done $0x0  }
0x21: {  	[sflag:s0] =	ssyncadd.s32 $0xFFFFFE00  }
0x22: {  	v3 =	vld [tilespmem:$0x0];
	_ =	sdelay $0x4  }
0x23: {  	v4 =	vshll.u32 v3, $0x3  }
0x24: {  	v3 =	vand.u32 $0x7, v3;
	v4 =	vand.u32 $0xFFFFFFC0, v4  }
0x25: {  	v3 =	vor.u32 v3, v4  }
0x26: {  	v4 =	vperm.xlane v3, v0;
	_ =	sdelay $0x1  }
0x27: {  	v4 =	vadd.s32 v1, v4;
	_ =	sdelay $0x4  }
0x28: {  	[tilespmem:s31], [sflag:$0x1] =	stream.indirect_vreg.gather [hbm4b:s1+s3], $0x80, v4, vm0, $0xb8;
	[tilespmem:$0x18200] =	vst v63  }
0x29: {  	v3 =	vperm.xlane v3, v2;
	s31 =	simm.s32 $0xA00  }
0x2a: {  	[tilespmem:s31], [sflag:$0x1] =	stream.indirect_vreg.gather [hbm4b:s5+s3], $0x80, v4, vm0, $0xb8;
	[tilespmem:$0x18200] =	vst v63  }
0x2b: {  	v3 =	vadd.s32 v1, v3;
	s31 =	simm.s32 $0x1200  }
0x2c: {  	[tilespmem:s31], [sflag:$0x1] =	stream.indirect_vreg.gather [hbm4b:s6+s3], $0x80, v4, vm0, $0xb8;
	[tilespmem:$0x18200] =	vst v63  }
0x2d: {  	s31 =	simm.s32 $0x1A00  }
0x2e: {  	[tilespmem:s31], [sflag:$0x1] =	stream.indirect_vreg.gather [hbm4b:s7+s3], $0x80, v4, vm0, $0xb8;
	[tilespmem:$0x18200] =	vst v63  }
0x2f: {  	s31 =	simm.s32 $0x2200  }
0x30: {  	[tilespmem:s31], [sflag:$0x1] =	stream.indirect_vreg.gather [hbm4b:s1+s3], $0x80, v3, vm0, $0xb8;
	[tilespmem:$0x18200] =	vst v63  }
0x31: {  	s31 =	simm.s32 $0x2A00  }
0x32: {  	[tilespmem:s31], [sflag:$0x1] =	stream.indirect_vreg.gather [hbm4b:s5+s3], $0x80, v3, vm0, $0xb8;
	[tilespmem:$0x18200] =	vst v63  }
0x33: {  	s31 =	simm.s32 $0x3200  }
0x34: {  	[tilespmem:s31], [sflag:$0x1] =	stream.indirect_vreg.gather [hbm4b:s6+s3], $0x80, v3, vm0, $0xb8;
	[tilespmem:$0x18200] =	vst v63  }
0x35: {  	s31 =	simm.s32 $0x3A00  }
0x36: {  	[tilespmem:s31], [sflag:$0x1] =	stream.indirect_vreg.gather [hbm4b:s7+s3], $0x80, v3, vm0, $0xb8;
	[tilespmem:$0x18200] =	vst v63  }
0x37: {  	v3 =	vld [tilespmem:$0x10];
	_ =	sdelay $0x4  }
0x38: {  	v59 =	vshll.u32 v3, $0x3  }
0x39: {  	v3 =	vand.u32 $0x7, v3;
	v4 =	vand.u32 $0xFFFFFFC0, v59  }
0x3a: {  	v3 =	vor.u32 v3, v4  }
0x3b: {  	v4 =	vperm.xlane v3, v0;
	_ =	sdelay $0x1  }
0x3c: {  	v4 =	vadd.s32 v1, v4;
	_ =	sdelay $0x3  }
0x3d: {  	s31 =	simm.s32 $0x4200  }
0x3e: {  	[tilespmem:s31], [sflag:$0x2] =	stream.indirect_vreg.gather [hbm4b:s1+s3], $0x80, v4, vm0, $0xb8;
	[tilespmem:$0x18200] =	vst v63  }
0x3f: {  	v3 =	vperm.xlane v3, v2;
	s31 =	simm.s32 $0x4A00  }
0x40: {  	[tilespmem:s31], [sflag:$0x2] =	stream.indirect_vreg.gather [hbm4b:s5+s3], $0x80, v4, vm0, $0xb8;
	[tilespmem:$0x18200] =	vst v63  }
0x41: {  	v3 =	vadd.s32 v1, v3;
	s31 =	simm.s32 $0x5200  }
0x42: {  	[tilespmem:s31], [sflag:$0x2] =	stream.indirect_vreg.gather [hbm4b:s6+s3], $0x80, v4, vm0, $0xb8;
	[tilespmem:$0x18200] =	vst v63  }
0x43: {  	s31 =	simm.s32 $0x5A00  }
0x44: {  	[tilespmem:s31], [sflag:$0x2] =	stream.indirect_vreg.gather [hbm4b:s7+s3], $0x80, v4, vm0, $0xb8;
	[tilespmem:$0x18200] =	vst v63  }
0x45: {  	s31 =	simm.s32 $0x6200  }
0x46: {  	[tilespmem:s31], [sflag:$0x2] =	stream.indirect_vreg.gather [hbm4b:s1+s3], $0x80, v3, vm0, $0xb8;
	[tilespmem:$0x18200] =	vst v63  }
0x47: {  	s31 =	simm.s32 $0x6A00  }
0x48: {  	[tilespmem:s31], [sflag:$0x2] =	stream.indirect_vreg.gather [hbm4b:s5+s3], $0x80, v3, vm0, $0xb8;
	[tilespmem:$0x18200] =	vst v63  }
0x49: {  	s31 =	simm.s32 $0x7200  }
0x4a: {  	[tilespmem:s31], [sflag:$0x2] =	stream.indirect_vreg.gather [hbm4b:s6+s3], $0x80, v3, vm0, $0xb8;
	[tilespmem:$0x18200] =	vst v63  }
0x4b: {  	s31 =	simm.s32 $0x7A00  }
0x4c: {  	[tilespmem:s31], [sflag:$0x2] =	stream.indirect_vreg.gather [hbm4b:s7+s3], $0x80, v3, vm0, $0xb8;
	[tilespmem:$0x18200] =	vst v63  }
0x4d: {  	v3 =	vld [tilespmem:$0x20];
	_ =	sdelay $0x4  }
0x4e: {  	v60 =	vshll.u32 v3, $0x3  }
0x4f: {  	v3 =	vand.u32 $0x7, v3;
	v4 =	vand.u32 $0xFFFFFFC0, v60  }
0x50: {  	v3 =	vor.u32 v3, v4  }
0x51: {  	v4 =	vperm.xlane v3, v0;
	_ =	sdelay $0x1  }
0x52: {  	v4 =	vadd.s32 v1, v4;
	_ =	sdelay $0x4  }
0x53: {  	[tilespmem:s18], [sflag:$0x3] =	stream.indirect_vreg.gather [hbm4b:s1+s3], $0x80, v4, vm0, $0xb8;
	[tilespmem:$0x18200] =	vst v63  }
0x54: {  	v3 =	vperm.xlane v3, v2  }
0x55: {  	[tilespmem:s30], [sflag:$0x3] =	stream.indirect_vreg.gather [hbm4b:s5+s3], $0x80, v4, vm0, $0xb8;
	[tilespmem:$0x18200] =	vst v63  }
0x56: {  	s31 =	simm.s32 $0x9200;
	v3 =	vadd.s32 v1, v3  }
0x57: {  	[tilespmem:s31], [sflag:$0x3] =	stream.indirect_vreg.gather [hbm4b:s6+s3], $0x80, v4, vm0, $0xb8;
	[tilespmem:$0x18200] =	vst v63  }
0x58: {  	_ = 	snop  }
0x59: {  	[tilespmem:s20], [sflag:$0x3] =	stream.indirect_vreg.gather [hbm4b:s7+s3], $0x80, v4, vm0, $0xb8;
	[tilespmem:$0x18200] =	vst v63  }
0x5a: {  	_ = 	snop  }
0x5b: {  	[tilespmem:s17], [sflag:$0x3] =	stream.indirect_vreg.gather [hbm4b:s1+s3], $0x80, v3, vm0, $0xb8;
	[tilespmem:$0x18200] =	vst v63  }
0x5c: {  	_ = 	snop  }
0x5d: {  	[tilespmem:s8], [sflag:$0x3] =	stream.indirect_vreg.gather [hbm4b:s5+s3], $0x80, v3, vm0, $0xb8;
	[tilespmem:$0x18200] =	vst v63  }
0x5e: {  	_ = 	snop  }
0x5f: {  	[tilespmem:s16], [sflag:$0x3] =	stream.indirect_vreg.gather [hbm4b:s6+s3], $0x80, v3, vm0, $0xb8;
	[tilespmem:$0x18200] =	vst v63  }
0x60: {  	_ = 	snop  }
0x61: {  	[tilespmem:s24], [sflag:$0x3] =	stream.indirect_vreg.gather [hbm4b:s7+s3], $0x80, v3, vm0, $0xb8;
	[tilespmem:$0x18200] =	vst v63  }
0x62: {  	v3 =	vld [tilespmem:$0x30];
	_ =	sdelay $0x4  }
0x63: {  	v61 =	vshll.u32 v3, $0x3  }
0x64: {  	v3 =	vand.u32 $0x7, v3;
	v4 =	vand.u32 $0xFFFFFFC0, v61  }
0x65: {  	v3 =	vor.u32 v3, v4  }
0x66: {  	v4 =	vperm.xlane v3, v0;
	_ =	sdelay $0x1  }
0x67: {  	v4 =	vadd.s32 v1, v4;
	_ =	sdelay $0x4  }
0x68: {  	[tilespmem:s28], [sflag:$0x4] =	stream.indirect_vreg.gather [hbm4b:s1+s3], $0x80, v4, vm0, $0xb8;
	[tilespmem:$0x18200] =	vst v63  }
0x69: {  	v3 =	vperm.xlane v3, v2  }
0x6a: {  	[tilespmem:s15], [sflag:$0x4] =	stream.indirect_vreg.gather [hbm4b:s5+s3], $0x80, v4, vm0, $0xb8;
	[tilespmem:$0x18200] =	vst v63  }
0x6b: {  	s16 =	simm.s32 $0xD200;
	v3 =	vadd.s32 v1, v3  }
0x6c: {  	[tilespmem:s16], [sflag:$0x4] =	stream.indirect_vreg.gather [hbm4b:s6+s3], $0x80, v4, vm0, $0xb8;
	[tilespmem:$0x18200] =	vst v63  }
0x6d: {  	s17 =	simm.s32 $0xDA00  }
0x6e: {  	[tilespmem:s17], [sflag:$0x4] =	stream.indirect_vreg.gather [hbm4b:s7+s3], $0x80, v4, vm0, $0xb8;
	[tilespmem:$0x18200] =	vst v63  }
0x6f: {  	s18 =	simm.s32 $0xE200  }
0x70: {  	[tilespmem:s18], [sflag:$0x4] =	stream.indirect_vreg.gather [hbm4b:s1+s3], $0x80, v3, vm0, $0xb8;
	[tilespmem:$0x18200] =	vst v63  }
0x71: {  	s20 =	simm.s32 $0xEA00  }
0x72: {  	[tilespmem:s20], [sflag:$0x4] =	stream.indirect_vreg.gather [hbm4b:s5+s3], $0x80, v3, vm0, $0xb8;
	[tilespmem:$0x18200] =	vst v63  }
0x73: {  	s24 =	simm.s32 $0xF200  }
0x74: {  	[tilespmem:s24], [sflag:$0x4] =	stream.indirect_vreg.gather [hbm4b:s6+s3], $0x80, v3, vm0, $0xb8;
	[tilespmem:$0x18200] =	vst v63  }
0x75: {  	s28 =	simm.s32 $0xFA00  }
0x76: {  	[tilespmem:s28], [sflag:$0x4] =	stream.indirect_vreg.gather [hbm4b:s7+s3], $0x80, v3, vm0, $0xb8;
	[tilespmem:$0x18200] =	vst v63  }
0x77: {  	v3 =	vld [tilespmem:$0x40];
	_ =	sdelay $0x4  }
0x78: {  	v62 =	vshll.u32 v3, $0x3  }
0x79: {  	v3 =	vand.u32 $0x7, v3;
	v4 =	vand.u32 $0xFFFFFFC0, v62  }
0x7a: {  	v3 =	vor.u32 v3, v4  }
0x7b: {  	v4 =	vperm.xlane v3, v0;
	_ =	sdelay $0x1  }
0x7c: {  	v4 =	vadd.s32 v1, v4;
	_ =	sdelay $0x4  }
0x7d: {  	[tilespmem:s19], [sflag:$0x5] =	stream.indirect_vreg.gather [hbm4b:s1+s3], $0x80, v4, vm0, $0xb8;
	[tilespmem:$0x18200] =	vst v63  }
0x7e: {  	s31 =	simm.s32 $0x10A00;
	v3 =	vperm.xlane v3, v2  }
0x7f: {  	[tilespmem:s31], [sflag:$0x5] =	stream.indirect_vreg.gather [hbm4b:s5+s3], $0x80, v4, vm0, $0xb8;
	[tilespmem:$0x18200] =	vst v63  }
0x80: {  	s8 =	simm.s32 $0x11200;
	v3 =	vadd.s32 v1, v3  }
0x81: {  	[tilespmem:s8], [sflag:$0x5] =	stream.indirect_vreg.gather [hbm4b:s6+s3], $0x80, v4, vm0, $0xb8;
	[tilespmem:$0x18200] =	vst v63  }
0x82: {  	s15 =	simm.s32 $0x11A00  }
0x83: {  	[tilespmem:s15], [sflag:$0x5] =	stream.indirect_vreg.gather [hbm4b:s7+s3], $0x80, v4, vm0, $0xb8;
	[tilespmem:$0x18200] =	vst v63  }
0x84: {  	s16 =	simm.s32 $0x12200  }
0x85: {  	[tilespmem:s16], [sflag:$0x5] =	stream.indirect_vreg.gather [hbm4b:s1+s3], $0x80, v3, vm0, $0xb8;
	[tilespmem:$0x18200] =	vst v63  }
0x86: {  	s17 =	simm.s32 $0x12A00  }
0x87: {  	[tilespmem:s17], [sflag:$0x5] =	stream.indirect_vreg.gather [hbm4b:s5+s3], $0x80, v3, vm0, $0xb8;
	[tilespmem:$0x18200] =	vst v63  }
0x88: {  	s18 =	simm.s32 $0x13200  }
0x89: {  	[tilespmem:s18], [sflag:$0x5] =	stream.indirect_vreg.gather [hbm4b:s6+s3], $0x80, v3, vm0, $0xb8;
	[tilespmem:$0x18200] =	vst v63  }
0x8a: {  	s19 =	simm.s32 $0x13A00  }
0x8b: {  	[tilespmem:s19], [sflag:$0x5] =	stream.indirect_vreg.gather [hbm4b:s7+s3], $0x80, v3, vm0, $0xb8;
	[tilespmem:$0x18200] =	vst v63  }
0x8c: {  	v3 =	vld [tilespmem:$0x50];
	_ =	sdelay $0x4  }
0x8d: {  	v63 =	vshll.u32 v3, $0x3  }
0x8e: {  	v3 =	vand.u32 $0x7, v3;
	v4 =	vand.u32 $0xFFFFFFC0, v63  }
0x8f: {  	v3 =	vor.u32 v3, v4  }
0x90: {  	v4 =	vperm.xlane v3, v0;
	_ =	sdelay $0x1  }
0x91: {  	v4 =	vadd.s32 v1, v4;
	_ =	sdelay $0x4  }
0x92: {  	[tilespmem:s2], [sflag:$0x6] =	stream.indirect_vreg.gather [hbm4b:s1+s3], $0x80, v4, vm0, $0xb8;
	[tilespmem:$0x18200] =	vst v63  }
0x93: {  	s20 =	simm.s32 $0x14A00;
	v3 =	vperm.xlane v3, v2  }
0x94: {  	[tilespmem:s20], [sflag:$0x6] =	stream.indirect_vreg.gather [hbm4b:s5+s3], $0x80, v4, vm0, $0xb8;
	[tilespmem:$0x18200] =	vst v63  }
0x95: {  	s24 =	simm.s32 $0x15200;
	v3 =	vadd.s32 v1, v3  }
0x96: {  	[tilespmem:s24], [sflag:$0x6] =	stream.indirect_vreg.gather [hbm4b:s6+s3], $0x80, v4, vm0, $0xb8;
	[tilespmem:$0x18200] =	vst v63  }
0x97: {  	s28 =	simm.s32 $0x15A00  }
0x98: {  	[tilespmem:s28], [sflag:$0x6] =	stream.indirect_vreg.gather [hbm4b:s7+s3], $0x80, v4, vm0, $0xb8;
	[tilespmem:$0x18200] =	vst v63  }
0x99: {  	s31 =	simm.s32 $0x16200  }
0x9a: {  	[tilespmem:s31], [sflag:$0x6] =	stream.indirect_vreg.gather [hbm4b:s1+s3], $0x80, v3, vm0, $0xb8;
	[tilespmem:$0x18200] =	vst v63  }
0x9b: {  	s20 =	simm.s32 $0x16A00  }
0x9c: {  	[tilespmem:s20], [sflag:$0x6] =	stream.indirect_vreg.gather [hbm4b:s5+s3], $0x80, v3, vm0, $0xb8;
	[tilespmem:$0x18200] =	vst v63  }
0x9d: {  	s29 =	simm.s32 $0xB0;
	s30 =	simm.s32 $0x0;
	s17 =	simm.s32 $0x17200  }
0x9e: {  	[tilespmem:s17], [sflag:$0x6] =	stream.indirect_vreg.gather [hbm4b:s6+s3], $0x80, v3, vm0, $0xb8;
	[tilespmem:$0x18200] =	vst v63  }
0x9f: {  	s8 =	simm.s32 $0x17A00;
	s16 =	simm.s32 $0xB200;
	s24 =	simm.s32 $0xBA00  }
0xa0: {  	[tilespmem:s8], [sflag:$0x6] =	stream.indirect_vreg.gather [hbm4b:s7+s3], $0x80, v3, vm0, $0xb8;
	[tilespmem:$0x18200] =	vst v63  }
.LBB2_2:
0xa1: {  	_ =	swait.ge [sflag:s21], $0x4000  }
0xa2: {  	s31 =	rddreg [dreg:$0x4];
	[sflag:s21] =	ssyncset.done $0x0  }
0xa3: {  	s0 =	simm.s32 $0x200;
	[sflag:s21] =	ssyncadd.s32 $0xFFFFC000;
	s31 =	sadd.s32 s30, s31  }
0xa4: {  	[hbm4b:s31+s3] =	stream.linear.scatter [tilespmem:s0], [sflag:$0x7], $0x4000, $0x38;
	[tilespmem:$0x18200] =	vst v63  }
0xa5: {  	_ =	swait.ge [sflag:s4], $0x4000  }
0xa6: {  	[sflag:s4] =	ssyncset.done $0x0  }
0xa7: {  	[sflag:s4] =	ssyncadd.s32 $0xFFFFC000  }
0xa8: {  	v3 =	vld [tilespmem:s29+$0xFFFFFFB0];
	_ =	sdelay $0x4  }
0xa9: {  	v4 =	vshll.u32 v3, $0x3  }
0xaa: {  	v3 =	vand.u32 $0x7, v3;
	v4 =	vand.u32 $0xFFFFFFC0, v4  }
0xab: {  	v3 =	vor.u32 v3, v4  }
0xac: {  	v4 =	vperm.xlane v3, v0;
	_ =	sdelay $0x1  }
0xad: {  	v4 =	vadd.s32 v1, v4;
	_ =	sdelay $0x4  }
0xae: {  	[tilespmem:s0], [sflag:$0x1] =	stream.indirect_vreg.gather [hbm4b:s1+s3], $0x80, v4, vm0, $0xb8;
	[tilespmem:$0x18200] =	vst v63  }
0xaf: {  	s15 =	simm.s32 $0xA00;
	v3 =	vperm.xlane v3, v2  }
0xb0: {  	[tilespmem:s15], [sflag:$0x1] =	stream.indirect_vreg.gather [hbm4b:s5+s3], $0x80, v4, vm0, $0xb8;
	[tilespmem:$0x18200] =	vst v63  }
0xb1: {  	s18 =	simm.s32 $0x1200;
	v3 =	vadd.s32 v1, v3  }
0xb2: {  	[tilespmem:s18], [sflag:$0x1] =	stream.indirect_vreg.gather [hbm4b:s6+s3], $0x80, v4, vm0, $0xb8;
	[tilespmem:$0x18200] =	vst v63  }
0xb3: {  	s19 =	simm.s32 $0x1A00  }
0xb4: {  	[tilespmem:s19], [sflag:$0x1] =	stream.indirect_vreg.gather [hbm4b:s7+s3], $0x80, v4, vm0, $0xb8;
	[tilespmem:$0x18200] =	vst v63  }
0xb5: {  	s2 =	simm.s32 $0x2200  }
0xb6: {  	[tilespmem:s2], [sflag:$0x1] =	stream.indirect_vreg.gather [hbm4b:s1+s3], $0x80, v3, vm0, $0xb8;
	[tilespmem:$0x18200] =	vst v63  }
0xb7: {  	s15 =	simm.s32 $0x2A00  }
0xb8: {  	[tilespmem:s15], [sflag:$0x1] =	stream.indirect_vreg.gather [hbm4b:s5+s3], $0x80, v3, vm0, $0xb8;
	[tilespmem:$0x18200] =	vst v63  }
0xb9: {  	s18 =	simm.s32 $0x3200  }
0xba: {  	[tilespmem:s18], [sflag:$0x1] =	stream.indirect_vreg.gather [hbm4b:s6+s3], $0x80, v3, vm0, $0xb8;
	[tilespmem:$0x18200] =	vst v63  }
0xbb: {  	s19 =	simm.s32 $0x3A00  }
0xbc: {  	[tilespmem:s19], [sflag:$0x1] =	stream.indirect_vreg.gather [hbm4b:s7+s3], $0x80, v3, vm0, $0xb8;
	[tilespmem:$0x18200] =	vst v63  }
0xbd: {  	_ =	swait.ge [sflag:s22], $0x4000  }
0xbe: {  	[sflag:s22] =	ssyncset.done $0x0  }
0xbf: {  	s2 =	sadd.s32 $0x800, s31;
	s18 =	simm.s32 $0x4200;
	[sflag:s22] =	ssyncadd.s32 $0xFFFFC000  }
0xc0: {  	[hbm4b:s2+s3] =	stream.linear.scatter [tilespmem:s18], [sflag:$0x8], $0x4000, $0x38;
	[tilespmem:$0x18200] =	vst v63  }
0xc1: {  	_ =	swait.ge [sflag:s9], $0x4000  }
0xc2: {  	[sflag:s9] =	ssyncset.done $0x0  }
0xc3: {  	[sflag:s9] =	ssyncadd.s32 $0xFFFFC000  }
0xc4: {  	v3 =	vld [tilespmem:s29+$0xFFFFFFC0];
	_ =	sdelay $0x4  }
0xc5: {  	v59 =	vshll.u32 v3, $0x3  }
0xc6: {  	v3 =	vand.u32 $0x7, v3;
	v4 =	vand.u32 $0xFFFFFFC0, v59  }
0xc7: {  	v3 =	vor.u32 v3, v4  }
0xc8: {  	v4 =	vperm.xlane v3, v0;
	_ =	sdelay $0x1  }
0xc9: {  	v4 =	vadd.s32 v1, v4;
	_ =	sdelay $0x4  }
0xca: {  	[tilespmem:s18], [sflag:$0x2] =	stream.indirect_vreg.gather [hbm4b:s1+s3], $0x80, v4, vm0, $0xb8;
	[tilespmem:$0x18200] =	vst v63  }
0xcb: {  	s15 =	simm.s32 $0x4A00;
	v3 =	vperm.xlane v3, v2  }
0xcc: {  	[tilespmem:s15], [sflag:$0x2] =	stream.indirect_vreg.gather [hbm4b:s5+s3], $0x80, v4, vm0, $0xb8;
	[tilespmem:$0x18200] =	vst v63  }
0xcd: {  	v3 =	vadd.s32 v1, v3;
	s18 =	simm.s32 $0x5200  }
0xce: {  	[tilespmem:s18], [sflag:$0x2] =	stream.indirect_vreg.gather [hbm4b:s6+s3], $0x80, v4, vm0, $0xb8;
	[tilespmem:$0x18200] =	vst v63  }
0xcf: {  	s19 =	simm.s32 $0x5A00  }
0xd0: {  	[tilespmem:s19], [sflag:$0x2] =	stream.indirect_vreg.gather [hbm4b:s7+s3], $0x80, v4, vm0, $0xb8;
	[tilespmem:$0x18200] =	vst v63  }
0xd1: {  	s2 =	simm.s32 $0x6200  }
0xd2: {  	[tilespmem:s2], [sflag:$0x2] =	stream.indirect_vreg.gather [hbm4b:s1+s3], $0x80, v3, vm0, $0xb8;
	[tilespmem:$0x18200] =	vst v63  }
0xd3: {  	s15 =	simm.s32 $0x6A00  }
0xd4: {  	[tilespmem:s15], [sflag:$0x2] =	stream.indirect_vreg.gather [hbm4b:s5+s3], $0x80, v3, vm0, $0xb8;
	[tilespmem:$0x18200] =	vst v63  }
0xd5: {  	s18 =	simm.s32 $0x7200  }
0xd6: {  	[tilespmem:s18], [sflag:$0x2] =	stream.indirect_vreg.gather [hbm4b:s6+s3], $0x80, v3, vm0, $0xb8;
	[tilespmem:$0x18200] =	vst v63  }
0xd7: {  	s19 =	simm.s32 $0x7A00  }
0xd8: {  	[tilespmem:s19], [sflag:$0x2] =	stream.indirect_vreg.gather [hbm4b:s7+s3], $0x80, v3, vm0, $0xb8;
	[tilespmem:$0x18200] =	vst v63  }
0xd9: {  	_ =	swait.ge [sflag:s23], $0x4000  }
0xda: {  	[sflag:s23] =	ssyncset.done $0x0  }
0xdb: {  	s28 =	simm.s32 $0x8200;
	s2 =	sadd.s32 $0x1000, s31;
	[sflag:s23] =	ssyncadd.s32 $0xFFFFC000  }
0xdc: {  	[hbm4b:s2+s3] =	stream.linear.scatter [tilespmem:s28], [sflag:$0x9], $0x4000, $0x38;
	[tilespmem:$0x18200] =	vst v63  }
0xdd: {  	_ =	swait.ge [sflag:s10], $0x4000  }
0xde: {  	[sflag:s10] =	ssyncset.done $0x0  }
0xdf: {  	[sflag:s10] =	ssyncadd.s32 $0xFFFFC000  }
0xe0: {  	v3 =	vld [tilespmem:s29+$0xFFFFFFD0];
	_ =	sdelay $0x4  }
0xe1: {  	v60 =	vshll.u32 v3, $0x3  }
0xe2: {  	v3 =	vand.u32 $0x7, v3;
	v4 =	vand.u32 $0xFFFFFFC0, v60  }
0xe3: {  	v3 =	vor.u32 v3, v4  }
0xe4: {  	v4 =	vperm.xlane v3, v0;
	_ =	sdelay $0x1  }
0xe5: {  	v4 =	vadd.s32 v1, v4;
	_ =	sdelay $0x4  }
0xe6: {  	[tilespmem:s28], [sflag:$0x3] =	stream.indirect_vreg.gather [hbm4b:s1+s3], $0x80, v4, vm0, $0xb8;
	[tilespmem:$0x18200] =	vst v63  }
0xe7: {  	s15 =	simm.s32 $0x8A00;
	v3 =	vperm.xlane v3, v2  }
0xe8: {  	[tilespmem:s15], [sflag:$0x3] =	stream.indirect_vreg.gather [hbm4b:s5+s3], $0x80, v4, vm0, $0xb8;
	[tilespmem:$0x18200] =	vst v63  }
0xe9: {  	s19 =	simm.s32 $0x9200;
	v3 =	vadd.s32 v1, v3  }
0xea: {  	[tilespmem:s19], [sflag:$0x3] =	stream.indirect_vreg.gather [hbm4b:s6+s3], $0x80, v4, vm0, $0xb8;
	[tilespmem:$0x18200] =	vst v63  }
0xeb: {  	s2 =	simm.s32 $0x9A00  }
0xec: {  	[tilespmem:s2], [sflag:$0x3] =	stream.indirect_vreg.gather [hbm4b:s7+s3], $0x80, v4, vm0, $0xb8;
	[tilespmem:$0x18200] =	vst v63  }
0xed: {  	s15 =	simm.s32 $0xA200  }
0xee: {  	[tilespmem:s15], [sflag:$0x3] =	stream.indirect_vreg.gather [hbm4b:s1+s3], $0x80, v3, vm0, $0xb8;
	[tilespmem:$0x18200] =	vst v63  }
0xef: {  	s19 =	simm.s32 $0xAA00  }
0xf0: {  	[tilespmem:s19], [sflag:$0x3] =	stream.indirect_vreg.gather [hbm4b:s5+s3], $0x80, v3, vm0, $0xb8;
	[tilespmem:$0x18200] =	vst v63  }
0xf1: {  	_ = 	snop  }
0xf2: {  	[tilespmem:s16], [sflag:$0x3] =	stream.indirect_vreg.gather [hbm4b:s6+s3], $0x80, v3, vm0, $0xb8;
	[tilespmem:$0x18200] =	vst v63  }
0xf3: {  	_ = 	snop  }
0xf4: {  	[tilespmem:s24], [sflag:$0x3] =	stream.indirect_vreg.gather [hbm4b:s7+s3], $0x80, v3, vm0, $0xb8;
	[tilespmem:$0x18200] =	vst v63  }
0xf5: {  	_ =	swait.ge [sflag:s11], $0x4000  }
0xf6: {  	[sflag:s11] =	ssyncset.done $0x0  }
0xf7: {  	s2 =	sadd.s32 $0x1800, s31;
	s15 =	simm.s32 $0xC200;
	[sflag:s11] =	ssyncadd.s32 $0xFFFFC000  }
0xf8: {  	[hbm4b:s2+s3] =	stream.linear.scatter [tilespmem:s15], [sflag:$0xA], $0x4000, $0x38;
	[tilespmem:$0x18200] =	vst v63  }
0xf9: {  	_ =	swait.ge [sflag:s25], $0x4000  }
0xfa: {  	[sflag:s25] =	ssyncset.done $0x0  }
0xfb: {  	[sflag:s25] =	ssyncadd.s32 $0xFFFFC000  }
0xfc: {  	v3 =	vld [tilespmem:s29+$0xFFFFFFE0];
	_ =	sdelay $0x4  }
0xfd: {  	v61 =	vshll.u32 v3, $0x3  }
0xfe: {  	v3 =	vand.u32 $0x7, v3;
	v4 =	vand.u32 $0xFFFFFFC0, v61  }
0xff: {  	v3 =	vor.u32 v3, v4  }
0x100: {  	v4 =	vperm.xlane v3, v0;
	_ =	sdelay $0x1  }
0x101: {  	v4 =	vadd.s32 v1, v4;
	_ =	sdelay $0x4  }
0x102: {  	[tilespmem:s15], [sflag:$0x4] =	stream.indirect_vreg.gather [hbm4b:s1+s3], $0x80, v4, vm0, $0xb8;
	[tilespmem:$0x18200] =	vst v63  }
0x103: {  	v3 =	vperm.xlane v3, v2;
	s15 =	simm.s32 $0xCA00  }
0x104: {  	[tilespmem:s15], [sflag:$0x4] =	stream.indirect_vreg.gather [hbm4b:s5+s3], $0x80, v4, vm0, $0xb8;
	[tilespmem:$0x18200] =	vst v63  }
0x105: {  	s19 =	simm.s32 $0xD200;
	v3 =	vadd.s32 v1, v3  }
0x106: {  	[tilespmem:s19], [sflag:$0x4] =	stream.indirect_vreg.gather [hbm4b:s6+s3], $0x80, v4, vm0, $0xb8;
	[tilespmem:$0x18200] =	vst v63  }
0x107: {  	s2 =	simm.s32 $0xDA00  }
0x108: {  	[tilespmem:s2], [sflag:$0x4] =	stream.indirect_vreg.gather [hbm4b:s7+s3], $0x80, v4, vm0, $0xb8;
	[tilespmem:$0x18200] =	vst v63  }
0x109: {  	s19 =	simm.s32 $0xE200  }
0x10a: {  	[tilespmem:s19], [sflag:$0x4] =	stream.indirect_vreg.gather [hbm4b:s1+s3], $0x80, v3, vm0, $0xb8;
	[tilespmem:$0x18200] =	vst v63  }
0x10b: {  	s2 =	simm.s32 $0xEA00  }
0x10c: {  	[tilespmem:s2], [sflag:$0x4] =	stream.indirect_vreg.gather [hbm4b:s5+s3], $0x80, v3, vm0, $0xb8;
	[tilespmem:$0x18200] =	vst v63  }
0x10d: {  	s19 =	simm.s32 $0xF200  }
0x10e: {  	[tilespmem:s19], [sflag:$0x4] =	stream.indirect_vreg.gather [hbm4b:s6+s3], $0x80, v3, vm0, $0xb8;
	[tilespmem:$0x18200] =	vst v63  }
0x10f: {  	s2 =	simm.s32 $0xFA00  }
0x110: {  	[tilespmem:s2], [sflag:$0x4] =	stream.indirect_vreg.gather [hbm4b:s7+s3], $0x80, v3, vm0, $0xb8;
	[tilespmem:$0x18200] =	vst v63  }
0x111: {  	_ =	swait.ge [sflag:s12], $0x4000  }
0x112: {  	[sflag:s12] =	ssyncset.done $0x0  }
0x113: {  	s19 =	sadd.s32 $0x2000, s31;
	s2 =	simm.s32 $0x10200;
	[sflag:s12] =	ssyncadd.s32 $0xFFFFC000  }
0x114: {  	[hbm4b:s19+s3] =	stream.linear.scatter [tilespmem:s2], [sflag:$0xB], $0x4000, $0x38;
	[tilespmem:$0x18200] =	vst v63  }
0x115: {  	_ =	swait.ge [sflag:s26], $0x4000  }
0x116: {  	[sflag:s26] =	ssyncset.done $0x0  }
0x117: {  	[sflag:s26] =	ssyncadd.s32 $0xFFFFC000  }
0x118: {  	v3 =	vld [tilespmem:s29+$0xFFFFFFF0];
	_ =	sdelay $0x4  }
0x119: {  	v62 =	vshll.u32 v3, $0x3  }
0x11a: {  	v3 =	vand.u32 $0x7, v3;
	v4 =	vand.u32 $0xFFFFFFC0, v62  }
0x11b: {  	v3 =	vor.u32 v3, v4  }
0x11c: {  	v4 =	vperm.xlane v3, v0;
	_ =	sdelay $0x1  }
0x11d: {  	v4 =	vadd.s32 v1, v4;
	_ =	sdelay $0x4  }
0x11e: {  	[tilespmem:s2], [sflag:$0x5] =	stream.indirect_vreg.gather [hbm4b:s1+s3], $0x80, v4, vm0, $0xb8;
	[tilespmem:$0x18200] =	vst v63  }
0x11f: {  	v3 =	vperm.xlane v3, v2;
	s2 =	simm.s32 $0x10A00  }
0x120: {  	[tilespmem:s2], [sflag:$0x5] =	stream.indirect_vreg.gather [hbm4b:s5+s3], $0x80, v4, vm0, $0xb8;
	[tilespmem:$0x18200] =	vst v63  }
0x121: {  	v3 =	vadd.s32 v1, v3;
	s2 =	simm.s32 $0x11200  }
0x122: {  	[tilespmem:s2], [sflag:$0x5] =	stream.indirect_vreg.gather [hbm4b:s6+s3], $0x80, v4, vm0, $0xb8;
	[tilespmem:$0x18200] =	vst v63  }
0x123: {  	s2 =	simm.s32 $0x11A00  }
0x124: {  	[tilespmem:s2], [sflag:$0x5] =	stream.indirect_vreg.gather [hbm4b:s7+s3], $0x80, v4, vm0, $0xb8;
	[tilespmem:$0x18200] =	vst v63  }
0x125: {  	s2 =	simm.s32 $0x12200  }
0x126: {  	[tilespmem:s2], [sflag:$0x5] =	stream.indirect_vreg.gather [hbm4b:s1+s3], $0x80, v3, vm0, $0xb8;
	[tilespmem:$0x18200] =	vst v63  }
0x127: {  	s2 =	simm.s32 $0x12A00  }
0x128: {  	[tilespmem:s2], [sflag:$0x5] =	stream.indirect_vreg.gather [hbm4b:s5+s3], $0x80, v3, vm0, $0xb8;
	[tilespmem:$0x18200] =	vst v63  }
0x129: {  	s2 =	simm.s32 $0x13200  }
0x12a: {  	[tilespmem:s2], [sflag:$0x5] =	stream.indirect_vreg.gather [hbm4b:s6+s3], $0x80, v3, vm0, $0xb8;
	[tilespmem:$0x18200] =	vst v63  }
0x12b: {  	s2 =	simm.s32 $0x13A00  }
0x12c: {  	[tilespmem:s2], [sflag:$0x5] =	stream.indirect_vreg.gather [hbm4b:s7+s3], $0x80, v3, vm0, $0xb8;
	[tilespmem:$0x18200] =	vst v63  }
0x12d: {  	_ =	swait.ge [sflag:s13], $0x4000  }
0x12e: {  	[sflag:s13] =	ssyncset.done $0x0  }
0x12f: {  	s2 =	sadd.s32 $0x2800, s31;
	s31 =	simm.s32 $0x14200;
	[sflag:s13] =	ssyncadd.s32 $0xFFFFC000  }
0x130: {  	[hbm4b:s2+s3] =	stream.linear.scatter [tilespmem:s31], [sflag:$0xC], $0x4000, $0x38;
	[tilespmem:$0x18200] =	vst v63  }
0x131: {  	_ =	swait.ge [sflag:s14], $0x4000  }
0x132: {  	[sflag:s14] =	ssyncset.done $0x0  }
0x133: {  	[sflag:s14] =	ssyncadd.s32 $0xFFFFC000  }
0x134: {  	v3 =	vld [tilespmem:s29+$0x0];
	_ =	sdelay $0x4  }
0x135: {  	v63 =	vshll.u32 v3, $0x3  }
0x136: {  	v3 =	vand.u32 $0x7, v3;
	v4 =	vand.u32 $0xFFFFFFC0, v63  }
0x137: {  	v3 =	vor.u32 v3, v4  }
0x138: {  	v4 =	vperm.xlane v3, v0;
	_ =	sdelay $0x1  }
0x139: {  	v4 =	vadd.s32 v1, v4;
	_ =	sdelay $0x4  }
0x13a: {  	[tilespmem:s31], [sflag:$0x6] =	stream.indirect_vreg.gather [hbm4b:s1+s3], $0x80, v4, vm0, $0xb8;
	[tilespmem:$0x18200] =	vst v63  }
0x13b: {  	v3 =	vperm.xlane v3, v2;
	s31 =	simm.s32 $0x14A00  }
0x13c: {  	[tilespmem:s31], [sflag:$0x6] =	stream.indirect_vreg.gather [hbm4b:s5+s3], $0x80, v4, vm0, $0xb8;
	[tilespmem:$0x18200] =	vst v63  }
0x13d: {  	v3 =	vadd.s32 v1, v3;
	s31 =	simm.s32 $0x15200  }
0x13e: {  	[tilespmem:s31], [sflag:$0x6] =	stream.indirect_vreg.gather [hbm4b:s6+s3], $0x80, v4, vm0, $0xb8;
	[tilespmem:$0x18200] =	vst v63  }
0x13f: {  	s31 =	simm.s32 $0x15A00  }
0x140: {  	[tilespmem:s31], [sflag:$0x6] =	stream.indirect_vreg.gather [hbm4b:s7+s3], $0x80, v4, vm0, $0xb8;
	[tilespmem:$0x18200] =	vst v63  }
0x141: {  	s31 =	simm.s32 $0x16200  }
0x142: {  	[tilespmem:s31], [sflag:$0x6] =	stream.indirect_vreg.gather [hbm4b:s1+s3], $0x80, v3, vm0, $0xb8;
	[tilespmem:$0x18200] =	vst v63  }
0x143: {  	p0 =	sne.s32 s30, $0x9000  }
0x144: {  	[tilespmem:s20], [sflag:$0x6] =	stream.indirect_vreg.gather [hbm4b:s5+s3], $0x80, v3, vm0, $0xb8;
	[tilespmem:$0x18200] =	vst v63  }
.Ltmp0:
0x145: {  	_ = 	snop;
	(pc) =	sbr.rel @p0 .LBB2_2-.Ltmp0, $4  }
0x146: {  	s30 =	sadd.s32 $0x3000, s30;
	s18 =	simm.s32 $0x8200;
	s28 =	simm.s32 $0xC200  }
0x147: {  	[tilespmem:s17], [sflag:$0x6] =	stream.indirect_vreg.gather [hbm4b:s6+s3], $0x80, v3, vm0, $0xb8;
	[tilespmem:$0x18200] =	vst v63  }
0x148: {  	s19 =	simm.s32 $0x10200;
	s2 =	simm.s32 $0x14200;
	s29 =	sadd.s32 $0x60, s29  }
0x149: {  	[tilespmem:s8], [sflag:$0x6] =	stream.indirect_vreg.gather [hbm4b:s7+s3], $0x80, v3, vm0, $0xb8;
	[tilespmem:$0x18200] =	vst v63  }
0x14a: {  	_ =	swait.ge [sflag:s21], $0x4000  }
0x14b: {  	[sflag:s21] =	ssyncset.done $0x0  }
0x14c: {  	s16 =	simm.s32 $0x200;
	s0 =	rddreg [dreg:$0x6];
	[sflag:s21] =	ssyncadd.s32 $0xFFFFC000  }
0x14d: {  	[hbm4b:s0+s3] =	stream.linear.scatter [tilespmem:s16], [sflag:$0x7], $0x4000, $0x38;
	[tilespmem:$0x18200] =	vst v63  }
0x14e: {  	_ =	swait.ge [sflag:s4], $0x4000  }
0x14f: {  	[sflag:s4] =	ssyncset.done $0x0  }
0x150: {  	[sflag:s4] =	ssyncadd.s32 $0xFFFFC000  }
0x151: {  	v3 =	vld [tilespmem:$0x1E0];
	_ =	sdelay $0x4  }
0x152: {  	v4 =	vshll.u32 v3, $0x3  }
0x153: {  	v3 =	vand.u32 $0x7, v3;
	v4 =	vand.u32 $0xFFFFFFC0, v4  }
0x154: {  	v3 =	vor.u32 v3, v4  }
0x155: {  	v4 =	vperm.xlane v3, v0;
	_ =	sdelay $0x1  }
0x156: {  	v4 =	vadd.s32 v1, v4;
	_ =	sdelay $0x4  }
0x157: {  	[tilespmem:s16], [sflag:$0x1] =	stream.indirect_vreg.gather [hbm4b:s1+s3], $0x80, v4, vm0, $0xb8;
	[tilespmem:$0x18200] =	vst v63  }
0x158: {  	s8 =	simm.s32 $0xA00;
	v3 =	vperm.xlane v3, v2  }
0x159: {  	[tilespmem:s8], [sflag:$0x1] =	stream.indirect_vreg.gather [hbm4b:s5+s3], $0x80, v4, vm0, $0xb8;
	[tilespmem:$0x18200] =	vst v63  }
0x15a: {  	s17 =	simm.s32 $0x1200;
	v3 =	vadd.s32 v1, v3  }
0x15b: {  	[tilespmem:s17], [sflag:$0x1] =	stream.indirect_vreg.gather [hbm4b:s6+s3], $0x80, v4, vm0, $0xb8;
	[tilespmem:$0x18200] =	vst v63  }
0x15c: {  	s20 =	simm.s32 $0x1A00  }
0x15d: {  	[tilespmem:s20], [sflag:$0x1] =	stream.indirect_vreg.gather [hbm4b:s7+s3], $0x80, v4, vm0, $0xb8;
	[tilespmem:$0x18200] =	vst v63  }
0x15e: {  	s24 =	simm.s32 $0x2200  }
0x15f: {  	[tilespmem:s24], [sflag:$0x1] =	stream.indirect_vreg.gather [hbm4b:s1+s3], $0x80, v3, vm0, $0xb8;
	[tilespmem:$0x18200] =	vst v63  }
0x160: {  	s31 =	simm.s32 $0x2A00  }
0x161: {  	[tilespmem:s31], [sflag:$0x1] =	stream.indirect_vreg.gather [hbm4b:s5+s3], $0x80, v3, vm0, $0xb8;
	[tilespmem:$0x18200] =	vst v63  }
0x162: {  	s8 =	simm.s32 $0x3200  }
0x163: {  	[tilespmem:s8], [sflag:$0x1] =	stream.indirect_vreg.gather [hbm4b:s6+s3], $0x80, v3, vm0, $0xb8;
	[tilespmem:$0x18200] =	vst v63  }
0x164: {  	s17 =	simm.s32 $0x3A00  }
0x165: {  	[tilespmem:s17], [sflag:$0x1] =	stream.indirect_vreg.gather [hbm4b:s7+s3], $0x80, v3, vm0, $0xb8;
	[tilespmem:$0x18200] =	vst v63  }
0x166: {  	_ =	swait.ge [sflag:s22], $0x4000  }
0x167: {  	[sflag:s22] =	ssyncset.done $0x0  }
0x168: {  	s8 =	simm.s32 $0x4200;
	s20 =	rddreg [dreg:$0x7];
	[sflag:s22] =	ssyncadd.s32 $0xFFFFC000  }
0x169: {  	[hbm4b:s20+s3] =	stream.linear.scatter [tilespmem:s8], [sflag:$0x8], $0x4000, $0x38;
	[tilespmem:$0x18200] =	vst v63  }
0x16a: {  	_ =	swait.ge [sflag:s9], $0x4000  }
0x16b: {  	[sflag:s9] =	ssyncset.done $0x0  }
0x16c: {  	[sflag:s9] =	ssyncadd.s32 $0xFFFFC000  }
0x16d: {  	v3 =	vld [tilespmem:$0x1F0];
	_ =	sdelay $0x4  }
0x16e: {  	v63 =	vshll.u32 v3, $0x3  }
0x16f: {  	v3 =	vand.u32 $0x7, v3;
	v4 =	vand.u32 $0xFFFFFFC0, v63  }
0x170: {  	v3 =	vor.u32 v3, v4  }
0x171: {  	v4 =	vperm.xlane v3, v0;
	_ =	sdelay $0x1  }
0x172: {  	v4 =	vadd.s32 v1, v4;
	_ =	sdelay $0x4  }
0x173: {  	[tilespmem:s8], [sflag:$0x2] =	stream.indirect_vreg.gather [hbm4b:s1+s3], $0x80, v4, vm0, $0xb8;
	[tilespmem:$0x18200] =	vst v63  }
0x174: {  	s24 =	simm.s32 $0x4A00;
	v3 =	vperm.xlane v3, v2  }
0x175: {  	[tilespmem:s24], [sflag:$0x2] =	stream.indirect_vreg.gather [hbm4b:s5+s3], $0x80, v4, vm0, $0xb8;
	[tilespmem:$0x18200] =	vst v63  }
0x176: {  	s31 =	simm.s32 $0x5200;
	v3 =	vadd.s32 v1, v3  }
0x177: {  	[tilespmem:s31], [sflag:$0x2] =	stream.indirect_vreg.gather [hbm4b:s6+s3], $0x80, v4, vm0, $0xb8;
	[tilespmem:$0x18200] =	vst v63  }
0x178: {  	s17 =	simm.s32 $0x5A00  }
0x179: {  	[tilespmem:s17], [sflag:$0x2] =	stream.indirect_vreg.gather [hbm4b:s7+s3], $0x80, v4, vm0, $0xb8;
	[tilespmem:$0x18200] =	vst v63  }
0x17a: {  	s20 =	simm.s32 $0x6200  }
0x17b: {  	[tilespmem:s20], [sflag:$0x2] =	stream.indirect_vreg.gather [hbm4b:s1+s3], $0x80, v3, vm0, $0xb8;
	[tilespmem:$0x18200] =	vst v63  }
0x17c: {  	s24 =	simm.s32 $0x6A00  }
0x17d: {  	[tilespmem:s24], [sflag:$0x2] =	stream.indirect_vreg.gather [hbm4b:s5+s3], $0x80, v3, vm0, $0xb8;
	[tilespmem:$0x18200] =	vst v63  }
0x17e: {  	s31 =	simm.s32 $0x7200  }
0x17f: {  	[tilespmem:s31], [sflag:$0x2] =	stream.indirect_vreg.gather [hbm4b:s6+s3], $0x80, v3, vm0, $0xb8;
	[tilespmem:$0x18200] =	vst v63  }
0x180: {  	s17 =	simm.s32 $0x7A00  }
0x181: {  	[tilespmem:s17], [sflag:$0x2] =	stream.indirect_vreg.gather [hbm4b:s7+s3], $0x80, v3, vm0, $0xb8;
	[tilespmem:$0x18200] =	vst v63  }
0x182: {  	_ =	swait.ge [sflag:s23], $0x4000  }
0x183: {  	[sflag:s23] =	ssyncset.done $0x0  }
0x184: {  	s20 =	rddreg [dreg:$0x8];
	[sflag:s23] =	ssyncadd.s32 $0xFFFFC000  }
0x185: {  	[hbm4b:s20+s3] =	stream.linear.scatter [tilespmem:s18], [sflag:$0x9], $0x4000, $0x38;
	[tilespmem:$0x18200] =	vst v63  }
0x186: {  	_ =	swait.ge [sflag:s11], $0x4000  }
0x187: {  	[sflag:s11] =	ssyncset.done $0x0  }
0x188: {  	s24 =	rddreg [dreg:$0x9];
	[sflag:s11] =	ssyncadd.s32 $0xFFFFC000  }
0x189: {  	[hbm4b:s24+s3] =	stream.linear.scatter [tilespmem:s28], [sflag:$0xA], $0x4000, $0x38;
	[tilespmem:$0x18200] =	vst v63  }
0x18a: {  	_ =	swait.ge [sflag:s12], $0x4000  }
0x18b: {  	[sflag:s12] =	ssyncset.done $0x0  }
0x18c: {  	s31 =	rddreg [dreg:$0xa];
	[sflag:s12] =	ssyncadd.s32 $0xFFFFC000  }
0x18d: {  	[hbm4b:s31+s3] =	stream.linear.scatter [tilespmem:s19], [sflag:$0xB], $0x4000, $0x38;
	[tilespmem:$0x18200] =	vst v63  }
0x18e: {  	_ =	swait.ge [sflag:s13], $0x4000  }
0x18f: {  	[sflag:s13] =	ssyncset.done $0x0  }
0x190: {  	s17 =	rddreg [dreg:$0xb];
	[sflag:s13] =	ssyncadd.s32 $0xFFFFC000  }
0x191: {  	[hbm4b:s17+s3] =	stream.linear.scatter [tilespmem:s2], [sflag:$0xC], $0x4000, $0x38;
	[tilespmem:$0x18200] =	vst v63  }
0x192: {  	_ =	swait.ge [sflag:s21], $0x4000  }
0x193: {  	[sflag:s21] =	ssyncset.done $0x0  }
0x194: {  	s20 =	rddreg [dreg:$0xc];
	[sflag:s21] =	ssyncadd.s32 $0xFFFFC000  }
0x195: {  	[hbm4b:s20+s3] =	stream.linear.scatter [tilespmem:s16], [sflag:$0x7], $0x4000, $0x38;
	[tilespmem:$0x18200] =	vst v63  }
0x196: {  	_ =	swait.ge [sflag:s22], $0x4000  }
0x197: {  	[sflag:s22] =	ssyncset.done $0x0  }
0x198: {  	s24 =	rddreg [dreg:$0xd];
	[sflag:s22] =	ssyncadd.s32 $0xFFFFC000  }
0x199: {  	[hbm4b:s24+s3] =	stream.linear.scatter [tilespmem:s8], [sflag:$0x8], $0x4000, $0x38;
	[tilespmem:$0x18200] =	vst v63  }
0x19a: {  	_ =	swait.ge [sflag:s10], $0x4000  }
0x19b: {  	[sflag:s10] =	ssyncset.done $0x0  }
0x19c: {  	[sflag:s10] =	ssyncadd.s32 $0xFFFFC000  }
0x19d: {  	_ =	swait.ge [sflag:s25], $0x4000  }
0x19e: {  	[sflag:s25] =	ssyncset.done $0x0  }
0x19f: {  	[sflag:s25] =	ssyncadd.s32 $0xFFFFC000  }
0x1a0: {  	_ =	swait.ge [sflag:s26], $0x4000  }
0x1a1: {  	[sflag:s26] =	ssyncset.done $0x0  }
0x1a2: {  	[sflag:s26] =	ssyncadd.s32 $0xFFFFC000  }
0x1a3: {  	_ =	swait.ge [sflag:s14], $0x4000  }
0x1a4: {  	[sflag:s14] =	ssyncset.done $0x0  }
0x1a5: {  	[sflag:s14] =	ssyncadd.s32 $0xFFFFC000  }
0x1a6: {  	_ =	swait.ge [sflag:s4], $0x4000  }
0x1a7: {  	[sflag:s4] =	ssyncset.done $0x0  }
0x1a8: {  	[sflag:s4] =	ssyncadd.s32 $0xFFFFC000  }
0x1a9: {  	_ =	swait.ge [sflag:s9], $0x4000  }
0x1aa: {  	s29 =	rddreg [dreg:$0xf]  }
0x1ab: {  	s31 =	rddreg [dreg:$0xe];
	s29 =	sadd.s32 $0x1, s29  }
0x1ac: {  	p0 =	sne.s32 s29, s31  }
.Ltmp1:
0x1ad: {  	_ = 	snop;
	(pc) =	sbr.rel @p0 .LBB2_1-.Ltmp1, $4  }
0x1ae: {  	_ = 	snop  }
0x1af: {  	s30 =	simm.s32 $0x8A00;
	s17 =	simm.s32 $0xA200  }
0x1b0: {  	s20 =	simm.s32 $0x9A00;
	s16 =	simm.s32 $0xB200;
	[sflag:s9] =	ssyncset.done $0x0  }
0x1b1: {  	s8 =	simm.s32 $0xAA00;
	s24 =	simm.s32 $0xBA00;
	[sflag:s9] =	ssyncadd.s32 $0xFFFFC000  }
0x1b2: {  	_ =	sfence.sel $0x180000  }
0x1b3: {  	[bflag:$0x0] =	sbarrier.arrive $0xFFFF  }
0x1b4: {  	_ =	strace $0x90000047  }
0x1b5: {  	s0 =	stileid.u32;
	[bflag:$0x2] =	sbarrier.arrive $0xFFFF  }
0x1b6: {  	p0 =	sne.s32 s0, $0x0;
	s0 =	rddreg [dreg:$0x3]  }
0x1b7: {  	s0 =	sadd.s32 @!p0 $0x100000, s0  }
0x1b8: {  	[sflag:s0] =	ssyncadd.tile.s32 @!p0 $0x1;
	_ =	shalt  }
.Lfunc_end2:
_tile_overlayer_lowered:
.L_overlay_start_2:
0x1b9: {  	(tag) =	ssettag $0x2  }
0x1ba: {  	s0 =	rddreg [dreg:$0x0];
	s2 =	stileid.u32  }
0x1bb: {  	s1 =	rddreg [dreg:$0x1];
	p0 =	sne.s32 s2, $0x0  }
0x1bc: {  	s3 =	rddreg [dreg:$0x2];
	[bflag:$0x3] =	sbarrier.arrive $0xFFFF;
	s2 =	simm.s32 @!p0 $0x1C0D  }
0x1bd: {  	[timem:s3], [sflag:s2] =	dma.local @!p0 [hbm:s0], s1  }
0x1be: {  	s0 =	simm.s32 @!p0 $0xD  }
0x1bf: {  	_ =	swait.ge @!p0 [sflag:s0], s1  }
0x1c0: {  	s1 =	ssub.s32 @!p0 $0x0, s1;
	[sflag:s0] =	ssyncset.done @!p0 $0x0  }
0x1c1: {  	[sflag:s0] =	ssyncadd.s32 @!p0 s1  }
0x1c2: {  	[bflag:$0x3] =	sbarrier.arrive $0xFFFF  }
0x1c3: {  	_ =	shalt  }

</sc_bundles>
